<compile_context>
chip_gen: v7x
topology: tpu7x:2x2x1
jax: 0.10.2.dev20260603
libtpu: 0.0.44.dev20260713+nightly
codegen_flags: <defaults>
</compile_context>

<pallas_src>
import functools

import jax
import jax.numpy as jnp
from jax import lax
from jax.experimental import pallas as pl
from jax.experimental.pallas import tpu as pltpu
from jax.experimental.pallas import tpu_sc as plsc

_L = 16


def _interp_round_index(t, av_ref, T):
    ones = jnp.ones((_L,), jnp.int32)
    zeros = jnp.zeros((_L,), jnp.int32)
    cnt = jnp.int32(0)
    for c in range(T // _L):
        xs = av_ref[pl.ds(c * _L, _L)]
        cnt = cnt + lax.reduce_sum_p.bind(
            jnp.where(xs <= t, ones, zeros), axes=(0,))
    j = jnp.clip(cnt - 1, 0, T - 2)
    j_vec = jnp.full((_L,), j, jnp.int32)
    xj = plsc.load_gather(av_ref, [j_vec])
    xj1 = plsc.load_gather(av_ref, [j_vec + 1])
    jf = j_vec.astype(jnp.float32)
    approx = jf + (t - xj) / (xj1 - xj)
    approx = jnp.clip(approx, 0.0, float(T - 1))[0]
    fi = approx.astype(jnp.int32)
    frac = approx - fi.astype(jnp.float32)
    up = jnp.where(frac > 0.5, 1, 0) + jnp.where(
        (frac == 0.5) & ((fi & 1) == 1), 1, 0)
    return fi + up


def _make_sc_kernel(T, H, W, dtype):
    rows = H // 32
    sub = rows // 2

    mesh = plsc.VectorSubcoreMesh(core_axis_name="c", subcore_axis_name="s")

    @functools.partial(
        pl.kernel,
        mesh=mesh,
        compiler_params=pltpu.CompilerParams(
            needs_layout_passes=False,
            disable_bounds_checks=True,
            disable_semaphore_checks=True,
        ),
        out_type=(
            jax.ShapeDtypeStruct((H, W), dtype),
            jax.ShapeDtypeStruct((H, W), dtype),
        ),
        scratch_types=[
            pltpu.VMEM((_L,), jnp.float32),
            pltpu.VMEM((T,), jnp.float32),
            pltpu.VMEM((2, sub, W), dtype),
            pltpu.VMEM((2, sub, W), dtype),
            pltpu.SemaphoreType.DMA,
            pltpu.SemaphoreType.DMA,
            pltpu.SemaphoreType.DMA,
            pltpu.SemaphoreType.DMA,
        ],
    )
    def sc_slice(time_hbm, av_hbm, temp_hbm, geo_hbm, out_t_hbm, out_g_hbm,
                 t_v, av_v, buf_t, buf_g, s0, s1, s2, s3):
        cid = lax.axis_index("c")
        sid = lax.axis_index("s")
        ct = pltpu.async_copy(time_hbm, t_v.at[pl.ds(0, 1)], s0)
        ca = pltpu.async_copy(av_hbm, av_v, s1)
        ct.wait()
        ca.wait()
        t = jnp.full((_L,), t_v[...][0], jnp.float32)
        idx = _interp_round_index(t, av_v, T)
        wid = sid * 2 + cid
        base = wid * rows
        g0 = pltpu.async_copy(temp_hbm.at[idx, pl.ds(base, sub)],
                              buf_t.at[0], s0)
        g1 = pltpu.async_copy(temp_hbm.at[idx, pl.ds(base + sub, sub)],
                              buf_t.at[1], s1)
        g2 = pltpu.async_copy(geo_hbm.at[idx, pl.ds(base, sub)],
                              buf_g.at[0], s2)
        g3 = pltpu.async_copy(geo_hbm.at[idx, pl.ds(base + sub, sub)],
                              buf_g.at[1], s3)
        g0.wait()
        c0 = pltpu.async_copy(buf_t.at[0], out_t_hbm.at[pl.ds(base, sub)], s0)
        g1.wait()
        c1 = pltpu.async_copy(buf_t.at[1],
                              out_t_hbm.at[pl.ds(base + sub, sub)], s1)
        g2.wait()
        c2 = pltpu.async_copy(buf_g.at[0], out_g_hbm.at[pl.ds(base, sub)], s2)
        g3.wait()
        c3 = pltpu.async_copy(buf_g.at[1],
                              out_g_hbm.at[pl.ds(base + sub, sub)], s3)
        c0.wait()
        c1.wait()
        c2.wait()
        c3.wait()

    return sc_slice


def kernel(time, available_time, temperature, geopotential):
    T = available_time.shape[0]
    H, W = temperature.shape[1], temperature.shape[2]
    sc = _make_sc_kernel(T, H, W, temperature.dtype)
    out_t, out_g = sc(time.astype(jnp.float32),
                      available_time.astype(jnp.float32),
                      temperature, geopotential)
    return (out_t, out_g)

# --- scband reference (transcript-rebuilt; emitter-appended) ---
"""Pipeline reference for scband-dynamic-input-slice-81836306858169 (READ-ONLY COPY).

The authoritative reference and input builder live on the scoring server;
editing this copy changes nothing except your own understanding.
"""

import jax, jax.numpy as jnp
import numpy as np


def setup_inputs(seed: int = 0) -> dict:
    key = jax.random.key(seed)
    k1, k2, k3 = jax.random.split(key, 3)
    T = 64
    # available observation times (hours since epoch), strictly increasing
    available_time = jnp.arange(T, dtype=jnp.float32)
    # query time somewhere inside the buffer range
    time = jax.random.uniform(k1, (1,), dtype=jnp.float32) * (T - 1)
    temperature = jax.random.normal(k2, (T, 256, 512), dtype=jnp.float32)
    geopotential = jax.random.normal(k3, (T, 256, 512), dtype=jnp.float32)
    return {
        "time": time,
        "available_time": available_time,
        "temperature": temperature,
        "geopotential": geopotential,
    }


def _slice_data_at_time(time_scalar, available_time, array):
    # Faithful translation of DynamicInputSlice._slice_data_at_time:
    # interpolate query time onto index coordinates, round to nearest index,
    # dynamic-gather that time slice.
    T = available_time.shape[0]
    time_indices = jnp.arange(T, dtype=jnp.float32)
    approx_index = jnp.interp(time_scalar, available_time, time_indices)
    index = jnp.round(approx_index).astype(jnp.int32)
    return jax.lax.dynamic_index_in_dim(array, index, axis=0, keepdims=False)


def reference(time, available_time, temperature, geopotential):
    t = time[0]
    out_temperature = _slice_data_at_time(t, available_time, temperature)
    out_geopotential = _slice_data_at_time(t, available_time, geopotential)
    return (out_temperature, out_geopotential)

if __name__ == "__main__":
    import jax
    _d = setup_inputs()
    print(jax.jit(kernel)(*tuple(_d.values())))

</pallas_src>

<mosaic_0001>
#map = affine_map<(d0, d1) -> (0)>
#map1 = affine_map<(d0, d1) -> (0, 0, 0)>
#map2 = affine_map<(d0, d1) -> (0, 0)>
module attributes {stable_mosaic.version = 14 : i64} {
  func.func @sc_slice(%arg0: i32, %arg1: i32, %arg2: memref<1xf32, #tpu.memory_space<hbm>>, %arg3: memref<64xf32, #tpu.memory_space<hbm>>, %arg4: memref<64x256x512xf32, #tpu.memory_space<hbm>>, %arg5: memref<64x256x512xf32, #tpu.memory_space<hbm>>, %arg6: memref<256x512xf32, #tpu.memory_space<hbm>>, %arg7: memref<256x512xf32, #tpu.memory_space<hbm>>, %arg8: memref<16xf32, #tpu.memory_space<vmem>>, %arg9: memref<64xf32, #tpu.memory_space<vmem>>, %arg10: memref<2x4x512xf32, #tpu.memory_space<vmem>>, %arg11: memref<2x4x512xf32, #tpu.memory_space<vmem>>, %arg12: memref<!tpu.dma_semaphore, #tpu.memory_space<semaphore_mem>>, %arg13: memref<!tpu.dma_semaphore, #tpu.memory_space<semaphore_mem>>, %arg14: memref<!tpu.dma_semaphore, #tpu.memory_space<semaphore_mem>>, %arg15: memref<!tpu.dma_semaphore, #tpu.memory_space<semaphore_mem>>) attributes {dimension_semantics = [#tpu.dimension_semantics<core_parallel>, #tpu.dimension_semantics<subcore_parallel>], iteration_bounds = array<i64: 2, 16>, scalar_prefetch = 0 : i64, scratch_operands = 8 : i64, tpu.core_type = #tpu.core_type<sc_vector_subcore>, window_params = [{transform_indices = #map}, {transform_indices = #map}, {transform_indices = #map1}, {transform_indices = #map1}, {transform_indices = #map2}, {transform_indices = #map2}]} {
    %dma_start3A = arith.constant 0 : i32
    %dma_start3A_0 = tpu.memref_slice %arg8[%dma_start3A] : memref<16xf32, #tpu.memory_space<vmem>> -> memref<1xf32, #tpu.memory_space<vmem>>
    %dma_start3A_1 = arith.constant 0 : i32
    %dma_start3A_2 = tpu.memref_slice %arg8[%dma_start3A_1] : memref<16xf32, #tpu.memory_space<vmem>> -> memref<1xf32, #tpu.memory_space<vmem>>
    tpu.enqueue_dma source(%arg2 : memref<1xf32, #tpu.memory_space<hbm>>) target(%dma_start3A_2 : memref<1xf32, #tpu.memory_space<vmem>>) target_semaphore(%arg12 : memref<!tpu.dma_semaphore, #tpu.memory_space<semaphore_mem>>)
    tpu.enqueue_dma source(%arg3 : memref<64xf32, #tpu.memory_space<hbm>>) target(%arg9 : memref<64xf32, #tpu.memory_space<vmem>>) target_semaphore(%arg13 : memref<!tpu.dma_semaphore, #tpu.memory_space<semaphore_mem>>)
    %dma_wait3A = arith.constant 0 : i32
    %dma_wait3A_3 = tpu.memref_slice %arg8[%dma_wait3A] : memref<16xf32, #tpu.memory_space<vmem>> -> memref<1xf32, #tpu.memory_space<vmem>>
    %dma_wait3A_4 = arith.constant 0 : i32
    %dma_wait3A_5 = tpu.memref_slice %arg8[%dma_wait3A_4] : memref<16xf32, #tpu.memory_space<vmem>> -> memref<1xf32, #tpu.memory_space<vmem>>
    tpu.wait_dma2 semaphore(%arg12 : memref<!tpu.dma_semaphore, #tpu.memory_space<semaphore_mem>>) src(%arg2 : memref<1xf32, #tpu.memory_space<hbm>>) dst(%dma_wait3A_5 : memref<1xf32, #tpu.memory_space<vmem>>)
    tpu.wait_dma2 semaphore(%arg13 : memref<!tpu.dma_semaphore, #tpu.memory_space<semaphore_mem>>) src(%arg3 : memref<64xf32, #tpu.memory_space<hbm>>) dst(%arg9 : memref<64xf32, #tpu.memory_space<vmem>>)
    %get3A = arith.constant 0 : index
    %get3A_6 = tpu.vector_load %arg8[%get3A] {strides = array<i32>} : memref<16xf32, #tpu.memory_space<vmem>>, vector<16xf32>,
    %slice3A = vector.extract_strided_slice %get3A_6 {offsets = [0], sizes = [1], strides = [1]} : vector<16xf32> to vector<1xf32>
    %squeeze3A = vector.extract %slice3A[0] : f32 from vector<1xf32>
    %broadcast_in_dim3A = vector.broadcast %squeeze3A : f32 to vector<16xf32>
    %broadcast_in_dim3A_7 = arith.constant 1 : i32
    %broadcast_in_dim3A_8 = vector.broadcast %broadcast_in_dim3A_7 : i32 to vector<16xi32>
    %broadcast_in_dim3A_9 = arith.constant 0 : i32
    %broadcast_in_dim3A_10 = vector.broadcast %broadcast_in_dim3A_9 : i32 to vector<16xi32>
    %get3A_11 = arith.constant 0 : index
    %get3A_12 = tpu.vector_load %arg9[%get3A_11] {strides = array<i32>} : memref<64xf32, #tpu.memory_space<vmem>>, vector<16xf32>,
    %le3A = arith.cmpf ole, %get3A_12, %broadcast_in_dim3A : vector<16xf32>
    %select_n3A = arith.select %le3A, %broadcast_in_dim3A_8, %broadcast_in_dim3A_10 : vector<16xi1>, vector<16xi32>
    %reduce_sum3A = arith.constant true
    %reduce_sum3A_13 = vector.broadcast %reduce_sum3A : i1 to vector<16xi1>
    %reduce_sum3A_14 = tpu.scan <sum>, %select_n3A masked %reduce_sum3A_13 : vector<16xi32>, vector<16xi1> -> vector<16xi32>
    %reduce_sum3A_15 = vector.extract %reduce_sum3A_14[15] : i32 from vector<16xi32>
    %add3A = arith.constant 0 : i32
    %add3A_16 = arith.addi %add3A, %reduce_sum3A_15 : i32
    %get3A_17 = arith.constant 16 : index
    %get3A_18 = tpu.vector_load %arg9[%get3A_17] {strides = array<i32>} : memref<64xf32, #tpu.memory_space<vmem>>, vector<16xf32>,
    %le3A_19 = arith.cmpf ole, %get3A_18, %broadcast_in_dim3A : vector<16xf32>
    %select_n3A_20 = arith.select %le3A_19, %broadcast_in_dim3A_8, %broadcast_in_dim3A_10 : vector<16xi1>, vector<16xi32>
    %reduce_sum3A_21 = arith.constant true
    %reduce_sum3A_22 = vector.broadcast %reduce_sum3A_21 : i1 to vector<16xi1>
    %reduce_sum3A_23 = tpu.scan <sum>, %select_n3A_20 masked %reduce_sum3A_22 : vector<16xi32>, vector<16xi1> -> vector<16xi32>
    %reduce_sum3A_24 = vector.extract %reduce_sum3A_23[15] : i32 from vector<16xi32>
    %add3A_25 = arith.addi %add3A_16, %reduce_sum3A_24 : i32
    %get3A_26 = arith.constant 32 : index
    %get3A_27 = tpu.vector_load %arg9[%get3A_26] {strides = array<i32>} : memref<64xf32, #tpu.memory_space<vmem>>, vector<16xf32>,
    %le3A_28 = arith.cmpf ole, %get3A_27, %broadcast_in_dim3A : vector<16xf32>
    %select_n3A_29 = arith.select %le3A_28, %broadcast_in_dim3A_8, %broadcast_in_dim3A_10 : vector<16xi1>, vector<16xi32>
    %reduce_sum3A_30 = arith.constant true
    %reduce_sum3A_31 = vector.broadcast %reduce_sum3A_30 : i1 to vector<16xi1>
    %reduce_sum3A_32 = tpu.scan <sum>, %select_n3A_29 masked %reduce_sum3A_31 : vector<16xi32>, vector<16xi1> -> vector<16xi32>
    %reduce_sum3A_33 = vector.extract %reduce_sum3A_32[15] : i32 from vector<16xi32>
    %add3A_34 = arith.addi %add3A_25, %reduce_sum3A_33 : i32
    %get3A_35 = arith.constant 48 : index
    %get3A_36 = tpu.vector_load %arg9[%get3A_35] {strides = array<i32>} : memref<64xf32, #tpu.memory_space<vmem>>, vector<16xf32>,
    %le3A_37 = arith.cmpf ole, %get3A_36, %broadcast_in_dim3A : vector<16xf32>
    %select_n3A_38 = arith.select %le3A_37, %broadcast_in_dim3A_8, %broadcast_in_dim3A_10 : vector<16xi1>, vector<16xi32>
    %reduce_sum3A_39 = arith.constant true
    %reduce_sum3A_40 = vector.broadcast %reduce_sum3A_39 : i1 to vector<16xi1>
    %reduce_sum3A_41 = tpu.scan <sum>, %select_n3A_38 masked %reduce_sum3A_40 : vector<16xi32>, vector<16xi1> -> vector<16xi32>
    %reduce_sum3A_42 = vector.extract %reduce_sum3A_41[15] : i32 from vector<16xi32>
    %add3A_43 = arith.addi %add3A_34, %reduce_sum3A_42 : i32
    %sub3A = arith.constant 1 : i32
    %sub3A_44 = arith.subi %add3A_43, %sub3A : i32
    %jit3A = arith.constant 0 : i32
    %jit3A_45 = arith.constant 62 : i32
    %max3A = arith.maxsi %jit3A, %sub3A_44 : i32
    %min3A = arith.minsi %jit3A_45, %max3A : i32
    %broadcast_in_dim3A_46 = vector.broadcast %min3A : i32 to vector<16xi32>
    %gather3A = tpu.vector_load_idx %arg9[%broadcast_in_dim3A_46] : memref<64xf32, #tpu.memory_space<vmem>>[vector<16xi32>], vector<16xf32>,
    %add3A_47 = arith.constant 1 : i32
    %add3A_48 = vector.broadcast %add3A_47 : i32 to vector<16xi32>
    %add3A_49 = arith.addi %broadcast_in_dim3A_46, %add3A_48 : vector<16xi32>
    %gather3A_50 = tpu.vector_load_idx %arg9[%add3A_49] : memref<64xf32, #tpu.memory_space<vmem>>[vector<16xi32>], vector<16xf32>,
    %convert_element_type3A = arith.sitofp %broadcast_in_dim3A_46 : vector<16xi32> to vector<16xf32>
    %sub3A_51 = arith.subf %broadcast_in_dim3A, %gather3A : vector<16xf32>
    %sub3A_52 = arith.subf %gather3A_50, %gather3A : vector<16xf32>
    %div3A = arith.divf %sub3A_51, %sub3A_52 : vector<16xf32>
    %add3A_53 = arith.addf %convert_element_type3A, %div3A : vector<16xf32>
    %jit3A_54 = arith.constant 0.000000e+00 : f32
    %jit3A_55 = arith.constant 6.300000e+01 : f32
    %max3A_56 = vector.broadcast %jit3A_54 : f32 to vector<16xf32>
    %max3A_57 = arith.maximumf %max3A_56, %add3A_53 : vector<16xf32>
    %min3A_58 = vector.broadcast %jit3A_55 : f32 to vector<16xf32>
    %min3A_59 = arith.minimumf %min3A_58, %max3A_57 : vector<16xf32>
    %slice3A_60 = vector.extract_strided_slice %min3A_59 {offsets = [0], sizes = [1], strides = [1]} : vector<16xf32> to vector<1xf32>
    %squeeze3A_61 = vector.extract %slice3A_60[0] : f32 from vector<1xf32>
    %convert_element_type3A_62 = arith.fptosi %squeeze3A_61 : f32 to i32
    %convert_element_type3A_63 = arith.sitofp %convert_element_type3A_62 : i32 to f32
    %sub3A_64 = arith.subf %squeeze3A_61, %convert_element_type3A_63 : f32
    %gt3A = arith.constant 5.000000e-01 : f32
    %gt3A_65 = arith.cmpf ogt, %sub3A_64, %gt3A : f32
    %jit3A_66 = arith.constant 1 : i32
    %jit3A_67 = arith.constant 0 : i32
    %select_n3A_68 = arith.select %gt3A_65, %jit3A_66, %jit3A_67 : i32
    %eq3A = arith.constant 5.000000e-01 : f32
    %eq3A_69 = arith.cmpf oeq, %sub3A_64, %eq3A : f32
    %and3A = arith.constant 1 : i32
    %and3A_70 = arith.andi %convert_element_type3A_62, %and3A : i32
    %eq3A_71 = arith.constant 1 : i32
    %eq3A_72 = arith.cmpi eq, %and3A_70, %eq3A_71 : i32
    %and3A_73 = arith.andi %eq3A_69, %eq3A_72 : i1
    %jit3A_74 = arith.constant 1 : i32
    %jit3A_75 = arith.constant 0 : i32
    %select_n3A_76 = arith.select %and3A_73, %jit3A_74, %jit3A_75 : i32
    %add3A_77 = arith.addi %select_n3A_68, %select_n3A_76 : i32
    %add3A_78 = arith.addi %convert_element_type3A_62, %add3A_77 : i32
    %mul3A = arith.constant 2 : i32
    %mul3A_79 = arith.muli %arg1, %mul3A : i32
    %add3A_80 = arith.addi %mul3A_79, %arg0 : i32
    %mul3A_81 = arith.constant 8 : i32
    %mul3A_82 = arith.muli %add3A_80, %mul3A_81 : i32
    %dma_start3A_83 = arith.constant 0 : i32
    %dma_start3A_84 = arith.constant 0 : i32
    %dma_start3A_85 = arith.constant 0 : i32
    %dma_start3A_86 = tpu.memref_slice %arg10[%dma_start3A_83, %dma_start3A_84, %dma_start3A_85] : memref<2x4x512xf32, #tpu.memory_space<vmem>> -> memref<1x4x512xf32, #tpu.memory_space<vmem>>
    %dma_start3A_87 = tpu.memref_squeeze %dma_start3A_86 : memref<1x4x512xf32, #tpu.memory_space<vmem>> -> memref<4x512xf32, #tpu.memory_space<vmem>>
    %dma_start3A_88 = arith.constant 0 : i32
    %dma_start3A_89 = tpu.memref_slice %arg4[%add3A_78, %mul3A_82, %dma_start3A_88] : memref<64x256x512xf32, #tpu.memory_space<hbm>> -> memref<1x4x512xf32, #tpu.memory_space<hbm>>
    %dma_start3A_90 = tpu.memref_squeeze %dma_start3A_89 : memref<1x4x512xf32, #tpu.memory_space<hbm>> -> memref<4x512xf32, #tpu.memory_space<hbm>>
    %dma_start3A_91 = arith.constant 0 : i32
    %dma_start3A_92 = arith.constant 0 : i32
    %dma_start3A_93 = tpu.memref_slice %arg10[%dma_start3A_83, %dma_start3A_91, %dma_start3A_92] : memref<2x4x512xf32, #tpu.memory_space<vmem>> -> memref<1x4x512xf32, #tpu.memory_space<vmem>>
    %dma_start3A_94 = tpu.memref_squeeze %dma_start3A_93 : memref<1x4x512xf32, #tpu.memory_space<vmem>> -> memref<4x512xf32, #tpu.memory_space<vmem>>
    %dma_start3A_95 = arith.constant 0 : i32
    %dma_start3A_96 = tpu.memref_slice %arg4[%add3A_78, %mul3A_82, %dma_start3A_95] : memref<64x256x512xf32, #tpu.memory_space<hbm>> -> memref<1x4x512xf32, #tpu.memory_space<hbm>>
    %dma_start3A_97 = tpu.memref_squeeze %dma_start3A_96 : memref<1x4x512xf32, #tpu.memory_space<hbm>> -> memref<4x512xf32, #tpu.memory_space<hbm>>
    tpu.enqueue_dma source(%dma_start3A_97 : memref<4x512xf32, #tpu.memory_space<hbm>>) target(%dma_start3A_94 : memref<4x512xf32, #tpu.memory_space<vmem>>) target_semaphore(%arg12 : memref<!tpu.dma_semaphore, #tpu.memory_space<semaphore_mem>>)
    %add3A_98 = arith.constant 4 : i32
    %add3A_99 = arith.addi %mul3A_82, %add3A_98 : i32
    %dma_start3A_100 = arith.constant 1 : i32
    %dma_start3A_101 = arith.constant 0 : i32
    %dma_start3A_102 = arith.constant 0 : i32
    %dma_start3A_103 = tpu.memref_slice %arg10[%dma_start3A_100, %dma_start3A_101, %dma_start3A_102] : memref<2x4x512xf32, #tpu.memory_space<vmem>> -> memref<1x4x512xf32, #tpu.memory_space<vmem>>
    %dma_start3A_104 = tpu.memref_squeeze %dma_start3A_103 : memref<1x4x512xf32, #tpu.memory_space<vmem>> -> memref<4x512xf32, #tpu.memory_space<vmem>>
    %dma_start3A_105 = arith.constant 0 : i32
    %dma_start3A_106 = tpu.memref_slice %arg4[%add3A_78, %add3A_99, %dma_start3A_105] : memref<64x256x512xf32, #tpu.memory_space<hbm>> -> memref<1x4x512xf32, #tpu.memory_space<hbm>>
    %dma_start3A_107 = tpu.memref_squeeze %dma_start3A_106 : memref<1x4x512xf32, #tpu.memory_space<hbm>> -> memref<4x512xf32, #tpu.memory_space<hbm>>
    %dma_start3A_108 = arith.constant 0 : i32
    %dma_start3A_109 = arith.constant 0 : i32
    %dma_start3A_110 = tpu.memref_slice %arg10[%dma_start3A_100, %dma_start3A_108, %dma_start3A_109] : memref<2x4x512xf32, #tpu.memory_space<vmem>> -> memref<1x4x512xf32, #tpu.memory_space<vmem>>
    %dma_start3A_111 = tpu.memref_squeeze %dma_start3A_110 : memref<1x4x512xf32, #tpu.memory_space<vmem>> -> memref<4x512xf32, #tpu.memory_space<vmem>>
    %dma_start3A_112 = arith.constant 0 : i32
    %dma_start3A_113 = tpu.memref_slice %arg4[%add3A_78, %add3A_99, %dma_start3A_112] : memref<64x256x512xf32, #tpu.memory_space<hbm>> -> memref<1x4x512xf32, #tpu.memory_space<hbm>>
    %dma_start3A_114 = tpu.memref_squeeze %dma_start3A_113 : memref<1x4x512xf32, #tpu.memory_space<hbm>> -> memref<4x512xf32, #tpu.memory_space<hbm>>
    tpu.enqueue_dma source(%dma_start3A_114 : memref<4x512xf32, #tpu.memory_space<hbm>>) target(%dma_start3A_111 : memref<4x512xf32, #tpu.memory_space<vmem>>) target_semaphore(%arg13 : memref<!tpu.dma_semaphore, #tpu.memory_space<semaphore_mem>>)
    %dma_start3A_115 = arith.constant 0 : i32
    %dma_start3A_116 = arith.constant 0 : i32
    %dma_start3A_117 = arith.constant 0 : i32
    %dma_start3A_118 = tpu.memref_slice %arg11[%dma_start3A_115, %dma_start3A_116, %dma_start3A_117] : memref<2x4x512xf32, #tpu.memory_space<vmem>> -> memref<1x4x512xf32, #tpu.memory_space<vmem>>
    %dma_start3A_119 = tpu.memref_squeeze %dma_start3A_118 : memref<1x4x512xf32, #tpu.memory_space<vmem>> -> memref<4x512xf32, #tpu.memory_space<vmem>>
    %dma_start3A_120 = arith.constant 0 : i32
    %dma_start3A_121 = tpu.memref_slice %arg5[%add3A_78, %mul3A_82, %dma_start3A_120] : memref<64x256x512xf32, #tpu.memory_space<hbm>> -> memref<1x4x512xf32, #tpu.memory_space<hbm>>
    %dma_start3A_122 = tpu.memref_squeeze %dma_start3A_121 : memref<1x4x512xf32, #tpu.memory_space<hbm>> -> memref<4x512xf32, #tpu.memory_space<hbm>>
    %dma_start3A_123 = arith.constant 0 : i32
    %dma_start3A_124 = arith.constant 0 : i32
    %dma_start3A_125 = tpu.memref_slice %arg11[%dma_start3A_115, %dma_start3A_123, %dma_start3A_124] : memref<2x4x512xf32, #tpu.memory_space<vmem>> -> memref<1x4x512xf32, #tpu.memory_space<vmem>>
    %dma_start3A_126 = tpu.memref_squeeze %dma_start3A_125 : memref<1x4x512xf32, #tpu.memory_space<vmem>> -> memref<4x512xf32, #tpu.memory_space<vmem>>
    %dma_start3A_127 = arith.constant 0 : i32
    %dma_start3A_128 = tpu.memref_slice %arg5[%add3A_78, %mul3A_82, %dma_start3A_127] : memref<64x256x512xf32, #tpu.memory_space<hbm>> -> memref<1x4x512xf32, #tpu.memory_space<hbm>>
    %dma_start3A_129 = tpu.memref_squeeze %dma_start3A_128 : memref<1x4x512xf32, #tpu.memory_space<hbm>> -> memref<4x512xf32, #tpu.memory_space<hbm>>
    tpu.enqueue_dma source(%dma_start3A_129 : memref<4x512xf32, #tpu.memory_space<hbm>>) target(%dma_start3A_126 : memref<4x512xf32, #tpu.memory_space<vmem>>) target_semaphore(%arg14 : memref<!tpu.dma_semaphore, #tpu.memory_space<semaphore_mem>>)
    %add3A_130 = arith.constant 4 : i32
    %add3A_131 = arith.addi %mul3A_82, %add3A_130 : i32
    %dma_start3A_132 = arith.constant 1 : i32
    %dma_start3A_133 = arith.constant 0 : i32
    %dma_start3A_134 = arith.constant 0 : i32
    %dma_start3A_135 = tpu.memref_slice %arg11[%dma_start3A_132, %dma_start3A_133, %dma_start3A_134] : memref<2x4x512xf32, #tpu.memory_space<vmem>> -> memref<1x4x512xf32, #tpu.memory_space<vmem>>
    %dma_start3A_136 = tpu.memref_squeeze %dma_start3A_135 : memref<1x4x512xf32, #tpu.memory_space<vmem>> -> memref<4x512xf32, #tpu.memory_space<vmem>>
    %dma_start3A_137 = arith.constant 0 : i32
    %dma_start3A_138 = tpu.memref_slice %arg5[%add3A_78, %add3A_131, %dma_start3A_137] : memref<64x256x512xf32, #tpu.memory_space<hbm>> -> memref<1x4x512xf32, #tpu.memory_space<hbm>>
    %dma_start3A_139 = tpu.memref_squeeze %dma_start3A_138 : memref<1x4x512xf32, #tpu.memory_space<hbm>> -> memref<4x512xf32, #tpu.memory_space<hbm>>
    %dma_start3A_140 = arith.constant 0 : i32
    %dma_start3A_141 = arith.constant 0 : i32
    %dma_start3A_142 = tpu.memref_slice %arg11[%dma_start3A_132, %dma_start3A_140, %dma_start3A_141] : memref<2x4x512xf32, #tpu.memory_space<vmem>> -> memref<1x4x512xf32, #tpu.memory_space<vmem>>
    %dma_start3A_143 = tpu.memref_squeeze %dma_start3A_142 : memref<1x4x512xf32, #tpu.memory_space<vmem>> -> memref<4x512xf32, #tpu.memory_space<vmem>>
    %dma_start3A_144 = arith.constant 0 : i32
    %dma_start3A_145 = tpu.memref_slice %arg5[%add3A_78, %add3A_131, %dma_start3A_144] : memref<64x256x512xf32, #tpu.memory_space<hbm>> -> memref<1x4x512xf32, #tpu.memory_space<hbm>>
    %dma_start3A_146 = tpu.memref_squeeze %dma_start3A_145 : memref<1x4x512xf32, #tpu.memory_space<hbm>> -> memref<4x512xf32, #tpu.memory_space<hbm>>
    tpu.enqueue_dma source(%dma_start3A_146 : memref<4x512xf32, #tpu.memory_space<hbm>>) target(%dma_start3A_143 : memref<4x512xf32, #tpu.memory_space<vmem>>) target_semaphore(%arg15 : memref<!tpu.dma_semaphore, #tpu.memory_space<semaphore_mem>>)
    %dma_wait3A_147 = arith.constant 0 : i32
    %dma_wait3A_148 = arith.constant 0 : i32
    %dma_wait3A_149 = arith.constant 0 : i32
    %dma_wait3A_150 = tpu.memref_slice %arg10[%dma_wait3A_147, %dma_wait3A_148, %dma_wait3A_149] : memref<2x4x512xf32, #tpu.memory_space<vmem>> -> memref<1x4x512xf32, #tpu.memory_space<vmem>>
    %dma_wait3A_151 = tpu.memref_squeeze %dma_wait3A_150 : memref<1x4x512xf32, #tpu.memory_space<vmem>> -> memref<4x512xf32, #tpu.memory_space<vmem>>
    %dma_wait3A_152 = arith.constant 0 : i32
    %dma_wait3A_153 = tpu.memref_slice %arg4[%add3A_78, %mul3A_82, %dma_wait3A_152] : memref<64x256x512xf32, #tpu.memory_space<hbm>> -> memref<1x4x512xf32, #tpu.memory_space<hbm>>
    %dma_wait3A_154 = tpu.memref_squeeze %dma_wait3A_153 : memref<1x4x512xf32, #tpu.memory_space<hbm>> -> memref<4x512xf32, #tpu.memory_space<hbm>>
    %dma_wait3A_155 = arith.constant 0 : i32
    %dma_wait3A_156 = arith.constant 0 : i32
    %dma_wait3A_157 = tpu.memref_slice %arg10[%dma_wait3A_147, %dma_wait3A_155, %dma_wait3A_156] : memref<2x4x512xf32, #tpu.memory_space<vmem>> -> memref<1x4x512xf32, #tpu.memory_space<vmem>>
    %dma_wait3A_158 = tpu.memref_squeeze %dma_wait3A_157 : memref<1x4x512xf32, #tpu.memory_space<vmem>> -> memref<4x512xf32, #tpu.memory_space<vmem>>
    %dma_wait3A_159 = arith.constant 0 : i32
    %dma_wait3A_160 = tpu.memref_slice %arg4[%add3A_78, %mul3A_82, %dma_wait3A_159] : memref<64x256x512xf32, #tpu.memory_space<hbm>> -> memref<1x4x512xf32, #tpu.memory_space<hbm>>
    %dma_wait3A_161 = tpu.memref_squeeze %dma_wait3A_160 : memref<1x4x512xf32, #tpu.memory_space<hbm>> -> memref<4x512xf32, #tpu.memory_space<hbm>>
    tpu.wait_dma2 semaphore(%arg12 : memref<!tpu.dma_semaphore, #tpu.memory_space<semaphore_mem>>) src(%dma_wait3A_161 : memref<4x512xf32, #tpu.memory_space<hbm>>) dst(%dma_wait3A_158 : memref<4x512xf32, #tpu.memory_space<vmem>>)
    %dma_start3A_162 = arith.constant 0 : i32
    %dma_start3A_163 = arith.constant 0 : i32
    %dma_start3A_164 = arith.constant 0 : i32
    %dma_start3A_165 = tpu.memref_slice %arg10[%dma_start3A_162, %dma_start3A_163, %dma_start3A_164] : memref<2x4x512xf32, #tpu.memory_space<vmem>> -> memref<1x4x512xf32, #tpu.memory_space<vmem>>
    %dma_start3A_166 = tpu.memref_squeeze %dma_start3A_165 : memref<1x4x512xf32, #tpu.memory_space<vmem>> -> memref<4x512xf32, #tpu.memory_space<vmem>>
    %dma_start3A_167 = arith.constant 0 : i32
    %dma_start3A_168 = tpu.memref_slice %arg6[%mul3A_82, %dma_start3A_167] : memref<256x512xf32, #tpu.memory_space<hbm>> -> memref<4x512xf32, #tpu.memory_space<hbm>>
    %dma_start3A_169 = arith.constant 0 : i32
    %dma_start3A_170 = tpu.memref_slice %arg6[%mul3A_82, %dma_start3A_169] : memref<256x512xf32, #tpu.memory_space<hbm>> -> memref<4x512xf32, #tpu.memory_space<hbm>>
    %dma_start3A_171 = arith.constant 0 : i32
    %dma_start3A_172 = arith.constant 0 : i32
    %dma_start3A_173 = tpu.memref_slice %arg10[%dma_start3A_162, %dma_start3A_171, %dma_start3A_172] : memref<2x4x512xf32, #tpu.memory_space<vmem>> -> memref<1x4x512xf32, #tpu.memory_space<vmem>>
    %dma_start3A_174 = tpu.memref_squeeze %dma_start3A_173 : memref<1x4x512xf32, #tpu.memory_space<vmem>> -> memref<4x512xf32, #tpu.memory_space<vmem>>
    tpu.enqueue_dma source(%dma_start3A_174 : memref<4x512xf32, #tpu.memory_space<vmem>>) target(%dma_start3A_170 : memref<4x512xf32, #tpu.memory_space<hbm>>) target_semaphore(%arg12 : memref<!tpu.dma_semaphore, #tpu.memory_space<semaphore_mem>>)
    %dma_wait3A_175 = arith.constant 1 : i32
    %dma_wait3A_176 = arith.constant 0 : i32
    %dma_wait3A_177 = arith.constant 0 : i32
    %dma_wait3A_178 = tpu.memref_slice %arg10[%dma_wait3A_175, %dma_wait3A_176, %dma_wait3A_177] : memref<2x4x512xf32, #tpu.memory_space<vmem>> -> memref<1x4x512xf32, #tpu.memory_space<vmem>>
    %dma_wait3A_179 = tpu.memref_squeeze %dma_wait3A_178 : memref<1x4x512xf32, #tpu.memory_space<vmem>> -> memref<4x512xf32, #tpu.memory_space<vmem>>
    %dma_wait3A_180 = arith.constant 0 : i32
    %dma_wait3A_181 = tpu.memref_slice %arg4[%add3A_78, %add3A_99, %dma_wait3A_180] : memref<64x256x512xf32, #tpu.memory_space<hbm>> -> memref<1x4x512xf32, #tpu.memory_space<hbm>>
    %dma_wait3A_182 = tpu.memref_squeeze %dma_wait3A_181 : memref<1x4x512xf32, #tpu.memory_space<hbm>> -> memref<4x512xf32, #tpu.memory_space<hbm>>
    %dma_wait3A_183 = arith.constant 0 : i32
    %dma_wait3A_184 = arith.constant 0 : i32
    %dma_wait3A_185 = tpu.memref_slice %arg10[%dma_wait3A_175, %dma_wait3A_183, %dma_wait3A_184] : memref<2x4x512xf32, #tpu.memory_space<vmem>> -> memref<1x4x512xf32, #tpu.memory_space<vmem>>
    %dma_wait3A_186 = tpu.memref_squeeze %dma_wait3A_185 : memref<1x4x512xf32, #tpu.memory_space<vmem>> -> memref<4x512xf32, #tpu.memory_space<vmem>>
    %dma_wait3A_187 = arith.constant 0 : i32
    %dma_wait3A_188 = tpu.memref_slice %arg4[%add3A_78, %add3A_99, %dma_wait3A_187] : memref<64x256x512xf32, #tpu.memory_space<hbm>> -> memref<1x4x512xf32, #tpu.memory_space<hbm>>
    %dma_wait3A_189 = tpu.memref_squeeze %dma_wait3A_188 : memref<1x4x512xf32, #tpu.memory_space<hbm>> -> memref<4x512xf32, #tpu.memory_space<hbm>>
    tpu.wait_dma2 semaphore(%arg13 : memref<!tpu.dma_semaphore, #tpu.memory_space<semaphore_mem>>) src(%dma_wait3A_189 : memref<4x512xf32, #tpu.memory_space<hbm>>) dst(%dma_wait3A_186 : memref<4x512xf32, #tpu.memory_space<vmem>>)
    %add3A_190 = arith.constant 4 : i32
    %add3A_191 = arith.addi %mul3A_82, %add3A_190 : i32
    %dma_start3A_192 = arith.constant 1 : i32
    %dma_start3A_193 = arith.constant 0 : i32
    %dma_start3A_194 = arith.constant 0 : i32
    %dma_start3A_195 = tpu.memref_slice %arg10[%dma_start3A_192, %dma_start3A_193, %dma_start3A_194] : memref<2x4x512xf32, #tpu.memory_space<vmem>> -> memref<1x4x512xf32, #tpu.memory_space<vmem>>
    %dma_start3A_196 = tpu.memref_squeeze %dma_start3A_195 : memref<1x4x512xf32, #tpu.memory_space<vmem>> -> memref<4x512xf32, #tpu.memory_space<vmem>>
    %dma_start3A_197 = arith.constant 0 : i32
    %dma_start3A_198 = tpu.memref_slice %arg6[%add3A_191, %dma_start3A_197] : memref<256x512xf32, #tpu.memory_space<hbm>> -> memref<4x512xf32, #tpu.memory_space<hbm>>
    %dma_start3A_199 = arith.constant 0 : i32
    %dma_start3A_200 = tpu.memref_slice %arg6[%add3A_191, %dma_start3A_199] : memref<256x512xf32, #tpu.memory_space<hbm>> -> memref<4x512xf32, #tpu.memory_space<hbm>>
    %dma_start3A_201 = arith.constant 0 : i32
    %dma_start3A_202 = arith.constant 0 : i32
    %dma_start3A_203 = tpu.memref_slice %arg10[%dma_start3A_192, %dma_start3A_201, %dma_start3A_202] : memref<2x4x512xf32, #tpu.memory_space<vmem>> -> memref<1x4x512xf32, #tpu.memory_space<vmem>>
    %dma_start3A_204 = tpu.memref_squeeze %dma_start3A_203 : memref<1x4x512xf32, #tpu.memory_space<vmem>> -> memref<4x512xf32, #tpu.memory_space<vmem>>
    tpu.enqueue_dma source(%dma_start3A_204 : memref<4x512xf32, #tpu.memory_space<vmem>>) target(%dma_start3A_200 : memref<4x512xf32, #tpu.memory_space<hbm>>) target_semaphore(%arg13 : memref<!tpu.dma_semaphore, #tpu.memory_space<semaphore_mem>>)
    %dma_wait3A_205 = arith.constant 0 : i32
    %dma_wait3A_206 = arith.constant 0 : i32
    %dma_wait3A_207 = arith.constant 0 : i32
    %dma_wait3A_208 = tpu.memref_slice %arg11[%dma_wait3A_205, %dma_wait3A_206, %dma_wait3A_207] : memref<2x4x512xf32, #tpu.memory_space<vmem>> -> memref<1x4x512xf32, #tpu.memory_space<vmem>>
    %dma_wait3A_209 = tpu.memref_squeeze %dma_wait3A_208 : memref<1x4x512xf32, #tpu.memory_space<vmem>> -> memref<4x512xf32, #tpu.memory_space<vmem>>
    %dma_wait3A_210 = arith.constant 0 : i32
    %dma_wait3A_211 = tpu.memref_slice %arg5[%add3A_78, %mul3A_82, %dma_wait3A_210] : memref<64x256x512xf32, #tpu.memory_space<hbm>> -> memref<1x4x512xf32, #tpu.memory_space<hbm>>
    %dma_wait3A_212 = tpu.memref_squeeze %dma_wait3A_211 : memref<1x4x512xf32, #tpu.memory_space<hbm>> -> memref<4x512xf32, #tpu.memory_space<hbm>>
    %dma_wait3A_213 = arith.constant 0 : i32
    %dma_wait3A_214 = arith.constant 0 : i32
    %dma_wait3A_215 = tpu.memref_slice %arg11[%dma_wait3A_205, %dma_wait3A_213, %dma_wait3A_214] : memref<2x4x512xf32, #tpu.memory_space<vmem>> -> memref<1x4x512xf32, #tpu.memory_space<vmem>>
    %dma_wait3A_216 = tpu.memref_squeeze %dma_wait3A_215 : memref<1x4x512xf32, #tpu.memory_space<vmem>> -> memref<4x512xf32, #tpu.memory_space<vmem>>
    %dma_wait3A_217 = arith.constant 0 : i32
    %dma_wait3A_218 = tpu.memref_slice %arg5[%add3A_78, %mul3A_82, %dma_wait3A_217] : memref<64x256x512xf32, #tpu.memory_space<hbm>> -> memref<1x4x512xf32, #tpu.memory_space<hbm>>
    %dma_wait3A_219 = tpu.memref_squeeze %dma_wait3A_218 : memref<1x4x512xf32, #tpu.memory_space<hbm>> -> memref<4x512xf32, #tpu.memory_space<hbm>>
    tpu.wait_dma2 semaphore(%arg14 : memref<!tpu.dma_semaphore, #tpu.memory_space<semaphore_mem>>) src(%dma_wait3A_219 : memref<4x512xf32, #tpu.memory_space<hbm>>) dst(%dma_wait3A_216 : memref<4x512xf32, #tpu.memory_space<vmem>>)
    %dma_start3A_220 = arith.constant 0 : i32
    %dma_start3A_221 = arith.constant 0 : i32
    %dma_start3A_222 = arith.constant 0 : i32
    %dma_start3A_223 = tpu.memref_slice %arg11[%dma_start3A_220, %dma_start3A_221, %dma_start3A_222] : memref<2x4x512xf32, #tpu.memory_space<vmem>> -> memref<1x4x512xf32, #tpu.memory_space<vmem>>
    %dma_start3A_224 = tpu.memref_squeeze %dma_start3A_223 : memref<1x4x512xf32, #tpu.memory_space<vmem>> -> memref<4x512xf32, #tpu.memory_space<vmem>>
    %dma_start3A_225 = arith.constant 0 : i32
    %dma_start3A_226 = tpu.memref_slice %arg7[%mul3A_82, %dma_start3A_225] : memref<256x512xf32, #tpu.memory_space<hbm>> -> memref<4x512xf32, #tpu.memory_space<hbm>>
    %dma_start3A_227 = arith.constant 0 : i32
    %dma_start3A_228 = tpu.memref_slice %arg7[%mul3A_82, %dma_start3A_227] : memref<256x512xf32, #tpu.memory_space<hbm>> -> memref<4x512xf32, #tpu.memory_space<hbm>>
    %dma_start3A_229 = arith.constant 0 : i32
    %dma_start3A_230 = arith.constant 0 : i32
    %dma_start3A_231 = tpu.memref_slice %arg11[%dma_start3A_220, %dma_start3A_229, %dma_start3A_230] : memref<2x4x512xf32, #tpu.memory_space<vmem>> -> memref<1x4x512xf32, #tpu.memory_space<vmem>>
    %dma_start3A_232 = tpu.memref_squeeze %dma_start3A_231 : memref<1x4x512xf32, #tpu.memory_space<vmem>> -> memref<4x512xf32, #tpu.memory_space<vmem>>
    tpu.enqueue_dma source(%dma_start3A_232 : memref<4x512xf32, #tpu.memory_space<vmem>>) target(%dma_start3A_228 : memref<4x512xf32, #tpu.memory_space<hbm>>) target_semaphore(%arg14 : memref<!tpu.dma_semaphore, #tpu.memory_space<semaphore_mem>>)
    %dma_wait3A_233 = arith.constant 1 : i32
    %dma_wait3A_234 = arith.constant 0 : i32
    %dma_wait3A_235 = arith.constant 0 : i32
    %dma_wait3A_236 = tpu.memref_slice %arg11[%dma_wait3A_233, %dma_wait3A_234, %dma_wait3A_235] : memref<2x4x512xf32, #tpu.memory_space<vmem>> -> memref<1x4x512xf32, #tpu.memory_space<vmem>>
    %dma_wait3A_237 = tpu.memref_squeeze %dma_wait3A_236 : memref<1x4x512xf32, #tpu.memory_space<vmem>> -> memref<4x512xf32, #tpu.memory_space<vmem>>
    %dma_wait3A_238 = arith.constant 0 : i32
    %dma_wait3A_239 = tpu.memref_slice %arg5[%add3A_78, %add3A_131, %dma_wait3A_238] : memref<64x256x512xf32, #tpu.memory_space<hbm>> -> memref<1x4x512xf32, #tpu.memory_space<hbm>>
    %dma_wait3A_240 = tpu.memref_squeeze %dma_wait3A_239 : memref<1x4x512xf32, #tpu.memory_space<hbm>> -> memref<4x512xf32, #tpu.memory_space<hbm>>
    %dma_wait3A_241 = arith.constant 0 : i32
    %dma_wait3A_242 = arith.constant 0 : i32
    %dma_wait3A_243 = tpu.memref_slice %arg11[%dma_wait3A_233, %dma_wait3A_241, %dma_wait3A_242] : memref<2x4x512xf32, #tpu.memory_space<vmem>> -> memref<1x4x512xf32, #tpu.memory_space<vmem>>
    %dma_wait3A_244 = tpu.memref_squeeze %dma_wait3A_243 : memref<1x4x512xf32, #tpu.memory_space<vmem>> -> memref<4x512xf32, #tpu.memory_space<vmem>>
    %dma_wait3A_245 = arith.constant 0 : i32
    %dma_wait3A_246 = tpu.memref_slice %arg5[%add3A_78, %add3A_131, %dma_wait3A_245] : memref<64x256x512xf32, #tpu.memory_space<hbm>> -> memref<1x4x512xf32, #tpu.memory_space<hbm>>
    %dma_wait3A_247 = tpu.memref_squeeze %dma_wait3A_246 : memref<1x4x512xf32, #tpu.memory_space<hbm>> -> memref<4x512xf32, #tpu.memory_space<hbm>>
    tpu.wait_dma2 semaphore(%arg15 : memref<!tpu.dma_semaphore, #tpu.memory_space<semaphore_mem>>) src(%dma_wait3A_247 : memref<4x512xf32, #tpu.memory_space<hbm>>) dst(%dma_wait3A_244 : memref<4x512xf32, #tpu.memory_space<vmem>>)
    %add3A_248 = arith.constant 4 : i32
    %add3A_249 = arith.addi %mul3A_82, %add3A_248 : i32
    %dma_start3A_250 = arith.constant 1 : i32
    %dma_start3A_251 = arith.constant 0 : i32
    %dma_start3A_252 = arith.constant 0 : i32
    %dma_start3A_253 = tpu.memref_slice %arg11[%dma_start3A_250, %dma_start3A_251, %dma_start3A_252] : memref<2x4x512xf32, #tpu.memory_space<vmem>> -> memref<1x4x512xf32, #tpu.memory_space<vmem>>
    %dma_start3A_254 = tpu.memref_squeeze %dma_start3A_253 : memref<1x4x512xf32, #tpu.memory_space<vmem>> -> memref<4x512xf32, #tpu.memory_space<vmem>>
    %dma_start3A_255 = arith.constant 0 : i32
    %dma_start3A_256 = tpu.memref_slice %arg7[%add3A_249, %dma_start3A_255] : memref<256x512xf32, #tpu.memory_space<hbm>> -> memref<4x512xf32, #tpu.memory_space<hbm>>
    %dma_start3A_257 = arith.constant 0 : i32
    %dma_start3A_258 = tpu.memref_slice %arg7[%add3A_249, %dma_start3A_257] : memref<256x512xf32, #tpu.memory_space<hbm>> -> memref<4x512xf32, #tpu.memory_space<hbm>>
    %dma_start3A_259 = arith.constant 0 : i32
    %dma_start3A_260 = arith.constant 0 : i32
    %dma_start3A_261 = tpu.memref_slice %arg11[%dma_start3A_250, %dma_start3A_259, %dma_start3A_260] : memref<2x4x512xf32, #tpu.memory_space<vmem>> -> memref<1x4x512xf32, #tpu.memory_space<vmem>>
    %dma_start3A_262 = tpu.memref_squeeze %dma_start3A_261 : memref<1x4x512xf32, #tpu.memory_space<vmem>> -> memref<4x512xf32, #tpu.memory_space<vmem>>
    tpu.enqueue_dma source(%dma_start3A_262 : memref<4x512xf32, #tpu.memory_space<vmem>>) target(%dma_start3A_258 : memref<4x512xf32, #tpu.memory_space<hbm>>) target_semaphore(%arg15 : memref<!tpu.dma_semaphore, #tpu.memory_space<semaphore_mem>>)
    %dma_wait3A_263 = arith.constant 0 : i32
    %dma_wait3A_264 = arith.constant 0 : i32
    %dma_wait3A_265 = arith.constant 0 : i32
    %dma_wait3A_266 = tpu.memref_slice %arg10[%dma_wait3A_263, %dma_wait3A_264, %dma_wait3A_265] : memref<2x4x512xf32, #tpu.memory_space<vmem>> -> memref<1x4x512xf32, #tpu.memory_space<vmem>>
    %dma_wait3A_267 = tpu.memref_squeeze %dma_wait3A_266 : memref<1x4x512xf32, #tpu.memory_space<vmem>> -> memref<4x512xf32, #tpu.memory_space<vmem>>
    %dma_wait3A_268 = arith.constant 0 : i32
    %dma_wait3A_269 = tpu.memref_slice %arg6[%mul3A_82, %dma_wait3A_268] : memref<256x512xf32, #tpu.memory_space<hbm>> -> memref<4x512xf32, #tpu.memory_space<hbm>>
    %dma_wait3A_270 = arith.constant 0 : i32
    %dma_wait3A_271 = tpu.memref_slice %arg6[%mul3A_82, %dma_wait3A_270] : memref<256x512xf32, #tpu.memory_space<hbm>> -> memref<4x512xf32, #tpu.memory_space<hbm>>
    %dma_wait3A_272 = arith.constant 0 : i32
    %dma_wait3A_273 = arith.constant 0 : i32
    %dma_wait3A_274 = tpu.memref_slice %arg10[%dma_wait3A_263, %dma_wait3A_272, %dma_wait3A_273] : memref<2x4x512xf32, #tpu.memory_space<vmem>> -> memref<1x4x512xf32, #tpu.memory_space<vmem>>
    %dma_wait3A_275 = tpu.memref_squeeze %dma_wait3A_274 : memref<1x4x512xf32, #tpu.memory_space<vmem>> -> memref<4x512xf32, #tpu.memory_space<vmem>>
    tpu.wait_dma2 semaphore(%arg12 : memref<!tpu.dma_semaphore, #tpu.memory_space<semaphore_mem>>) src(%dma_wait3A_275 : memref<4x512xf32, #tpu.memory_space<vmem>>) dst(%dma_wait3A_271 : memref<4x512xf32, #tpu.memory_space<hbm>>)
    %dma_wait3A_276 = arith.constant 1 : i32
    %dma_wait3A_277 = arith.constant 0 : i32
    %dma_wait3A_278 = arith.constant 0 : i32
    %dma_wait3A_279 = tpu.memref_slice %arg10[%dma_wait3A_276, %dma_wait3A_277, %dma_wait3A_278] : memref<2x4x512xf32, #tpu.memory_space<vmem>> -> memref<1x4x512xf32, #tpu.memory_space<vmem>>
    %dma_wait3A_280 = tpu.memref_squeeze %dma_wait3A_279 : memref<1x4x512xf32, #tpu.memory_space<vmem>> -> memref<4x512xf32, #tpu.memory_space<vmem>>
    %dma_wait3A_281 = arith.constant 0 : i32
    %dma_wait3A_282 = tpu.memref_slice %arg6[%add3A_191, %dma_wait3A_281] : memref<256x512xf32, #tpu.memory_space<hbm>> -> memref<4x512xf32, #tpu.memory_space<hbm>>
    %dma_wait3A_283 = arith.constant 0 : i32
    %dma_wait3A_284 = tpu.memref_slice %arg6[%add3A_191, %dma_wait3A_283] : memref<256x512xf32, #tpu.memory_space<hbm>> -> memref<4x512xf32, #tpu.memory_space<hbm>>
    %dma_wait3A_285 = arith.constant 0 : i32
    %dma_wait3A_286 = arith.constant 0 : i32
    %dma_wait3A_287 = tpu.memref_slice %arg10[%dma_wait3A_276, %dma_wait3A_285, %dma_wait3A_286] : memref<2x4x512xf32, #tpu.memory_space<vmem>> -> memref<1x4x512xf32, #tpu.memory_space<vmem>>
    %dma_wait3A_288 = tpu.memref_squeeze %dma_wait3A_287 : memref<1x4x512xf32, #tpu.memory_space<vmem>> -> memref<4x512xf32, #tpu.memory_space<vmem>>
    tpu.wait_dma2 semaphore(%arg13 : memref<!tpu.dma_semaphore, #tpu.memory_space<semaphore_mem>>) src(%dma_wait3A_288 : memref<4x512xf32, #tpu.memory_space<vmem>>) dst(%dma_wait3A_284 : memref<4x512xf32, #tpu.memory_space<hbm>>)
    %dma_wait3A_289 = arith.constant 0 : i32
    %dma_wait3A_290 = arith.constant 0 : i32
    %dma_wait3A_291 = arith.constant 0 : i32
    %dma_wait3A_292 = tpu.memref_slice %arg11[%dma_wait3A_289, %dma_wait3A_290, %dma_wait3A_291] : memref<2x4x512xf32, #tpu.memory_space<vmem>> -> memref<1x4x512xf32, #tpu.memory_space<vmem>>
    %dma_wait3A_293 = tpu.memref_squeeze %dma_wait3A_292 : memref<1x4x512xf32, #tpu.memory_space<vmem>> -> memref<4x512xf32, #tpu.memory_space<vmem>>
    %dma_wait3A_294 = arith.constant 0 : i32
    %dma_wait3A_295 = tpu.memref_slice %arg7[%mul3A_82, %dma_wait3A_294] : memref<256x512xf32, #tpu.memory_space<hbm>> -> memref<4x512xf32, #tpu.memory_space<hbm>>
    %dma_wait3A_296 = arith.constant 0 : i32
    %dma_wait3A_297 = tpu.memref_slice %arg7[%mul3A_82, %dma_wait3A_296] : memref<256x512xf32, #tpu.memory_space<hbm>> -> memref<4x512xf32, #tpu.memory_space<hbm>>
    %dma_wait3A_298 = arith.constant 0 : i32
    %dma_wait3A_299 = arith.constant 0 : i32
    %dma_wait3A_300 = tpu.memref_slice %arg11[%dma_wait3A_289, %dma_wait3A_298, %dma_wait3A_299] : memref<2x4x512xf32, #tpu.memory_space<vmem>> -> memref<1x4x512xf32, #tpu.memory_space<vmem>>
    %dma_wait3A_301 = tpu.memref_squeeze %dma_wait3A_300 : memref<1x4x512xf32, #tpu.memory_space<vmem>> -> memref<4x512xf32, #tpu.memory_space<vmem>>
    tpu.wait_dma2 semaphore(%arg14 : memref<!tpu.dma_semaphore, #tpu.memory_space<semaphore_mem>>) src(%dma_wait3A_301 : memref<4x512xf32, #tpu.memory_space<vmem>>) dst(%dma_wait3A_297 : memref<4x512xf32, #tpu.memory_space<hbm>>)
    %dma_wait3A_302 = arith.constant 1 : i32
    %dma_wait3A_303 = arith.constant 0 : i32
    %dma_wait3A_304 = arith.constant 0 : i32
    %dma_wait3A_305 = tpu.memref_slice %arg11[%dma_wait3A_302, %dma_wait3A_303, %dma_wait3A_304] : memref<2x4x512xf32, #tpu.memory_space<vmem>> -> memref<1x4x512xf32, #tpu.memory_space<vmem>>
    %dma_wait3A_306 = tpu.memref_squeeze %dma_wait3A_305 : memref<1x4x512xf32, #tpu.memory_space<vmem>> -> memref<4x512xf32, #tpu.memory_space<vmem>>
    %dma_wait3A_307 = arith.constant 0 : i32
    %dma_wait3A_308 = tpu.memref_slice %arg7[%add3A_249, %dma_wait3A_307] : memref<256x512xf32, #tpu.memory_space<hbm>> -> memref<4x512xf32, #tpu.memory_space<hbm>>
    %dma_wait3A_309 = arith.constant 0 : i32
    %dma_wait3A_310 = tpu.memref_slice %arg7[%add3A_249, %dma_wait3A_309] : memref<256x512xf32, #tpu.memory_space<hbm>> -> memref<4x512xf32, #tpu.memory_space<hbm>>
    %dma_wait3A_311 = arith.constant 0 : i32
    %dma_wait3A_312 = arith.constant 0 : i32
    %dma_wait3A_313 = tpu.memref_slice %arg11[%dma_wait3A_302, %dma_wait3A_311, %dma_wait3A_312] : memref<2x4x512xf32, #tpu.memory_space<vmem>> -> memref<1x4x512xf32, #tpu.memory_space<vmem>>
    %dma_wait3A_314 = tpu.memref_squeeze %dma_wait3A_313 : memref<1x4x512xf32, #tpu.memory_space<vmem>> -> memref<4x512xf32, #tpu.memory_space<vmem>>
    tpu.wait_dma2 semaphore(%arg15 : memref<!tpu.dma_semaphore, #tpu.memory_space<semaphore_mem>>) src(%dma_wait3A_314 : memref<4x512xf32, #tpu.memory_space<vmem>>) dst(%dma_wait3A_310 : memref<4x512xf32, #tpu.memory_space<hbm>>)
    return
  }
}

</mosaic_0001>

<sc_bundles>
// kernel: kernel.3.cloned.1.call-start
scs
__scs_entry_jumppad:
0x0: {  	(pc) =	sbr.rel $0x88, $3  }
0x1: {  	(tag) =	ssettag $0x0;
	lr =	simm.s32 $0x1  }
0x2: {  	[smem:$0x3F9D] =	sst lr;
	_ =	strace $0xD0000000  }
0x3: {  	_ = 	snop  }
0x4: {  	_ = 	snop  }
0x5: {  	_ = 	snop  }
0x6: {  	_ = 	snop  }
0x7: {  	_ = 	snop  }
__scs_overlays_trampoline_lowered:
0x8: {  	[smem:$0x3FAC] =	sst s0  }
0x9: {  	[smem:$0x3FAD] =	sst s1  }
0xa: {  	[smem:$0x3FAE] =	sst s2  }
0xb: {  	[smem:$0x3FAF] =	sst s3  }
0xc: {  	[smem:$0x3FB0] =	sst s4  }
0xd: {  	[smem:$0x3FB1] =	sst s5  }
0xe: {  	[smem:$0x3FB2] =	sst s6  }
0xf: {  	[smem:$0x3FB3] =	sst s7  }
0x10: {  	[smem:$0x3FB4] =	sst s8  }
0x11: {  	[smem:$0x3FB5] =	sst s9;
	s0 =	simm.s32 @!p0 $0x0  }
0x12: {  	s1 =	sld [smem:$0x3F9B];
	s0 =	simm.s32 @p0 $0x1  }
0x13: {  	[smem:$0x3FB6] =	sst s0;
	s0 =	simm.s32 @!p1 $0x0  }
0x14: {  	s2 =	sld [smem:$0x3F9A];
	s0 =	simm.s32 @p1 $0x1  }
0x15: {  	[smem:$0x3FB7] =	sst s0;
	s0 =	simm.s32 @!p2 $0x0  }
0x16: {  	s3 =	sld [smem:$0x3FDB];
	s0 =	simm.s32 @p2 $0x1  }
0x17: {  	s4 =	simm.s32 $0x1BF5;
	[smem:$0x3FB9] =	sst s0  }
0x18: {  	s0 =	sld [smem:$0x3F9C];
	_ =	swait.ge [sflag:s4], $0x0  }
0x19: {  	s7 =	sld [smem:$0x3F9D]  }
0x1a: {  	s8 =	sadd.s32 $0xFFFFE003, lr  }
0x1b: {  	s9 =	sadd.s32 $0xFFFFFEF7, lr;
	s5 =	simm.s32 $0xFFFFFFFF;
	p2 =	slt.u32 s8, $0xFFFFF086  }
0x1c: {  	p1 =	slt.u32 s9, $0xF7A;
	s5 =	simm.s32 @!p2 $0x0  }
0x1d: {  	s5 =	simm.s32 @p1 $0x1;
	p0 =	seq.s32 s7, s2  }
0x1e: {  	s7 =	smul.u32 @!p0 $0xF7A, s2;
	p2 =	seq.s32 @!p0 s5, $0x0  }
0x1f: {  	s9 =	smul.u32 $0xF7A, s1;
	s8 =	simm.s32 @!p0 $0x1BF5;
	p2 =	por !p2, p0  }
0x20: {  	[sflag:s8] =	ssyncset.s32 @!p0 $0xFFFFF086;
	s6 =	sadd.s32 @!p0 s3, s7;
	s7 =	simm.s32 @!p0 $0x108  }
0x21: {  	s3 =	sadd.s32 s3, s9;
	s6 =	sadd.s32 @!p0 $0x88, s6;
	s7 =	simm.s32 @p2 $0x1082  }
0x22: {  	[simem:s7], [sflag:s8] =	dma.local @!p0 [hbm:s6], $0xF7A  }
0x23: {  	s9 =	sor.u32 $0xD0000000, s2;
	s6 =	simm.s32 $0x108;
	_ =	swait.ge @!p0 [sflag:s8], $0x0  }
0x24: {  	s3 =	sadd.s32 $0x88, s3;
	s6 =	simm.s32 @!p1 $0x1082;
	[sflag:s4] =	ssyncset.s32 $0xFFFFF086  }
0x25: {  	[simem:s6], [sflag:s4] =	dma.local [hbm:s3], $0xF7A  }
0x26: {  	[smem:$0x3F9D] =	sst s1;
	(tag) =	ssettag s2;
	_ =	strace s9  }
0x27: {  	s1 =	sld [smem:$0x3FAD]  }
0x28: {  	s2 =	sld [smem:$0x3FAE]  }
0x29: {  	s4 =	sld [smem:$0x3FB0]  }
0x2a: {  	p0 =	seq.s32 s5, $0x0;
	s5 =	sld [smem:$0x3FB1]  }
0x2b: {  	s6 =	sld [smem:$0x3FB2]  }
0x2c: {  	s7 =	sld [smem:$0x3FB3]  }
0x2d: {  	s3 =	simm.s32 $0x108;
	s8 =	sld [smem:$0x3FB4]  }
0x2e: {  	s3 =	simm.s32 @!p0 $0x1082;
	s9 =	sld [smem:$0x3FB5]  }
0x2f: {  	lr =	sadd.s32 s0, s3;
	s0 =	sld [smem:$0x3FAC]  }
0x30: {  	s3 =	sld [smem:$0x3FAF]  }
0x31: {  	[smem:$0x3FB8] =	sst s10  }
0x32: {  	s10 =	sld [smem:$0x3FB6];
	_ =	sdelay $0x3  }
0x33: {  	p0 =	seq.s32 s10, $0x1;
	s10 =	sld [smem:$0x3FB8];
	_ =	sdelay $0x3  }
0x34: {  	[smem:$0x3FB8] =	sst s10  }
0x35: {  	s10 =	sld [smem:$0x3FB7];
	_ =	sdelay $0x3  }
0x36: {  	p1 =	seq.s32 s10, $0x1;
	s10 =	sld [smem:$0x3FB8];
	_ =	sdelay $0x3  }
0x37: {  	[smem:$0x3FB8] =	sst s10  }
0x38: {  	s10 =	sld [smem:$0x3FB9]  }
0x39: {  	_ = 	snop;
	(pc) =	sbr.ind lr, $3  }
0x3a: {  	_ = 	snop  }
0x3b: {  	_ = 	snop  }
0x3c: {  	p2 =	seq.s32 s10, $0x1;
	s10 =	sld [smem:$0x3FB8]  }
0x3d: {  	_ =	shalt  }
0x3e: {  	_ =	shalt  }
0x3f: {  	_ =	shalt  }
0x40: {  	_ =	shalt  }
0x41: {  	_ =	shalt  }
0x42: {  	_ =	shalt  }
0x43: {  	_ =	shalt  }
0x44: {  	_ =	shalt  }
0x45: {  	_ =	shalt  }
0x46: {  	_ =	shalt  }
0x47: {  	_ =	shalt  }
0x48: {  	_ =	shalt  }
0x49: {  	_ =	shalt  }
0x4a: {  	_ =	shalt  }
0x4b: {  	_ =	shalt  }
0x4c: {  	_ =	shalt  }
0x4d: {  	_ =	shalt  }
0x4e: {  	_ =	shalt  }
0x4f: {  	_ =	shalt  }
0x50: {  	_ =	shalt  }
0x51: {  	_ =	shalt  }
0x52: {  	_ =	shalt  }
0x53: {  	_ =	shalt  }
0x54: {  	_ =	shalt  }
0x55: {  	_ =	shalt  }
0x56: {  	_ =	shalt  }
0x57: {  	_ =	shalt  }
0x58: {  	_ =	shalt  }
0x59: {  	_ =	shalt  }
0x5a: {  	_ =	shalt  }
0x5b: {  	_ =	shalt  }
0x5c: {  	_ =	shalt  }
0x5d: {  	_ =	shalt  }
0x5e: {  	_ =	shalt  }
0x5f: {  	_ =	shalt  }
0x60: {  	_ =	shalt  }
0x61: {  	_ =	shalt  }
0x62: {  	_ =	shalt  }
0x63: {  	_ =	shalt  }
0x64: {  	_ =	shalt  }
0x65: {  	_ =	shalt  }
0x66: {  	_ =	shalt  }
0x67: {  	_ =	shalt  }
0x68: {  	_ =	shalt  }
0x69: {  	_ =	shalt  }
0x6a: {  	_ =	shalt  }
0x6b: {  	_ =	shalt  }
0x6c: {  	_ =	shalt  }
0x6d: {  	_ =	shalt  }
0x6e: {  	_ =	shalt  }
0x6f: {  	_ =	shalt  }
0x70: {  	_ =	shalt  }
0x71: {  	_ =	shalt  }
0x72: {  	_ =	shalt  }
0x73: {  	_ =	shalt  }
0x74: {  	_ =	shalt  }
0x75: {  	_ =	shalt  }
0x76: {  	_ =	shalt  }
0x77: {  	_ =	shalt  }
0x78: {  	_ =	shalt  }
0x79: {  	_ =	shalt  }
0x7a: {  	_ =	shalt  }
0x7b: {  	_ =	shalt  }
0x7c: {  	_ =	shalt  }
0x7d: {  	_ =	shalt  }
0x7e: {  	_ =	shalt  }
0x7f: {  	_ =	shalt  }
0x80: {  	_ =	shalt  }
0x81: {  	_ =	shalt  }
0x82: {  	_ =	shalt  }
0x83: {  	_ =	shalt  }
0x84: {  	_ =	shalt  }
0x85: {  	_ =	shalt  }
0x86: {  	_ =	shalt  }
0x87: {  	_ =	shalt  }
.Lfunc_end0:
.L_simem_size_0:
called_computation_lowered:
.L_overlay_start_0:
0x88: {  	s2 =	sld [smem:$0x3FD9]  }
0x89: {  	s3 =	sld [smem:$0x3FFE];
	_ =	sdelay $0x1  }
0x8a: {  	s1 =	srdreg.scid  }
0x8b: {  	s0 =	sand.u32 $0x1, s1  }
0x8c: {  	s15 =	sshll.u32 s0, $0xA;
	s2 =	sadd.s32 s3, s2  }
0x8d: {  	s2 =	sadd.s32 s2, s15  }
0x8e: {  	[smem:$0x3FC4] =	sst s2  }
0x8f: {  	_ = 	snop  }
0x90: {  	s2 =	sld [smem:$0x3FC9]  }
0x91: {  	s16 =	sld [smem:$0x3FD0]  }
0x92: {  	s4 =	sld [smem:$0x3FC8]  }
0x93: {  	s5 =	sld [smem:$0x3FC7]  }
0x94: {  	s7 =	simm.s32 $0xA;
	s8 =	simm.s32 $0x10;
	s6 =	sld [smem:$0x3FC6]  }
0x95: {  	[smem:s8], [sflag:s7] =	dma.local [hbm:s16], $0x1  }
0x96: {  	_ =	swait.eq [sflag:s7], $0x1  }
0x97: {  	[sflag:s7] =	ssyncset.done $0x0  }
0x98: {  	s17 =	sld [smem:$0x10];
	[sflag:s7] =	ssyncadd.s32 $0xFFFFFFFF  }
0x99: {  	s18 =	sld [smem:$0x11];
	(tm) =	ssettm $0x1  }
0x9a: {  	s19 =	sld [smem:$0x3FFB];
	_ =	sdelay $0x3  }
0x9b: {  	_ =	strace s19  }
0x9c: {  	s8 =	sld [smem:$0x3FFC];
	_ =	sdelay $0x3  }
0x9d: {  	_ =	strace s8  }
0x9e: {  	s8 =	sld [smem:$0x3FFD];
	_ =	sdelay $0x3  }
0x9f: {  	_ =	strace s8  }
0xa0: {  	_ =	strace $0x8FFFFFFF  }
0xa1: {  	s20 =	sld [smem:$0x3FDB];
	_ =	sdelay $0x1  }
0xa2: {  	s9 =	simm.s32 $_scs_section_size  }
0xa3: {  	s10 =	simm.s32 $_size__tile_overlayer_lowered;
	s11 =	simm.s32 $_tile_overlayer_lowered  }
0xa4: {  	s23 =	simm.s32 $0x1BFF;
	s22 =	sshll.u32 s11, $0x1;
	s8 =	sadd.s32 s9, s20  }
0xa5: {  	s12 =	simm.s32 $0x0;
	s21 =	sshll.u32 s10, $0x1;
	s10 =	sadd.s32 s22, s8  }
0xa6: {  	[timem:s12], [sflag:s23] =	dma.local [hbm:s10], s21  }
0xa7: {  	_ =	swait.ge [sflag:s23], s21  }
0xa8: {  	s9 =	ssub.s32 $0x0, s21;
	[sflag:s23] =	ssyncset.done $0x0  }
0xa9: {  	[sflag:s23] =	ssyncadd.s32 s9;
	_ =	sdelay $0x1  }
0xaa: {  	s24 =	simm.s32 $0x1B8B  }
0xab: {  	_ =	swait.ge [sflag:s24], $0x1  }
0xac: {  	[sflag:s24] =	ssyncset.done $0x0  }
0xad: {  	s25 =	simm.s32 $0x1B8E;
	[sflag:s24] =	ssyncadd.s32 $0xFFFFFFFF  }
0xae: {  	s26 =	simm.s32 $execute0_lowered;
	[smem:$0x3FD2] =	sst s25  }
0xaf: {  	s9 =	sshll.u32 s26, $0x1;
	_ =	strace $0x80000046;
	[dreg:$0x1] =	wrdreg $0xFFFFFFFF  }
0xb0: {  	s28 =	simm.s32 $_size_execute0_lowered;
	s8 =	sadd.s32 s8, s9;
	[dreg:$0x0] =	wrdreg $0x0  }
0xb1: {  	s9 =	sshll.u32 s28, $0x1;
	[dreg:$0x2] =	wrdreg s8  }
0xb2: {  	[dreg:$0x3] =	wrdreg s9  }
0xb3: {  	[dreg:$0x4] =	wrdreg $0xC0  }
0xb4: {  	_ =	task [dreg:s12], $0x5FFFF  }
0xb5: {  	[dreg:$0x1] =	wrdreg $0xFFFFFFFF  }
0xb6: {  	[dreg:$0x0] =	wrdreg $0x60  }
0xb7: {  	[dreg:$0x2] =	wrdreg s2  }
0xb8: {  	[dreg:$0x3] =	wrdreg s4  }
0xb9: {  	[dreg:$0x4] =	wrdreg s5  }
0xba: {  	[dreg:$0x5] =	wrdreg s6  }
0xbb: {  	[dreg:$0x6] =	wrdreg s17  }
0xbc: {  	[dreg:$0x7] =	wrdreg s18  }
0xbd: {  	[dreg:$0x8] =	wrdreg $0x9  }
0xbe: {  	_ =	task.clear_ibuf [dreg:s12], $0x9FFFF;
	_ =	strace $0x90000046  }
0xbf: {  	s29 =	simm.s32 $0x9;
	_ =	strace $0x80000048  }
0xc0: {  	_ =	swait.ge [sflag:s29], $0x1  }
0xc1: {  	[sflag:s29] =	ssyncadd.s32 $0xFFFFFFFF  }
0xc2: {  	_ =	strace $0x90000048  }
0xc3: {  	_ =	sfence  }
0xc4: {  	s30 =	sld [smem:$0x0];
	_ =	sdelay $0x2  }
0xc5: {  	s31 =	sshll.u32 s1, $0xD;
	s1 =	sshrl.u32 s1, $0x2  }
0xc6: {  	s3 =	sand.u32 $0x4000, s31;
	s1 =	sadd.s32 s1, s30  }
0xc7: {  	s0 =	sor.u32 s3, s0;
	s1 =	sshll.u32 s1, $0x11  }
0xc8: {  	s0 =	sor.u32 s1, s0  }
0xc9: {  	s0 =	sadd.s32 $0x8F2B, s0  }
0xca: {  	[sflag:s0] =	ssyncadd.remote.s32 $0x1  }
0xcb: {  	_ =	sfence.sel $0xFFFF  }
0xcc: {  	[dreg:$0x0] =	wrdreg $0xFFFFFFFF;
	(pc) =	sbr.abs _section_cstart, $3  }
0xcd: {  	[dreg:$0x1] =	wrdreg $0xFFFFFFFF  }
0xce: {  	_ =	task.clear_ibuf [dreg:s12], $0x2FFFF;
	_ =	strace $0x9FFFFFFF  }
0xcf: {  	(tm) =	ssettm $0x7FFFFFFF  }
tec
execute0_lowered:
.L_overlay_start_1:
0x0: {  	(tag) =	ssettag $0x1  }
0x1: {  	s0 =	rddreg [dreg:$0x0]  }
0x2: {  	s12 =	rddreg [dreg:$0x1]  }
0x3: {  	s2 =	rddreg [dreg:$0x2]  }
0x4: {  	s3 =	rddreg [dreg:$0x3]  }
0x5: {  	s5 =	rddreg [dreg:$0x4]  }
0x6: {  	s6 =	rddreg [dreg:$0x5]  }
0x7: {  	[dreg:$0x7] =	wrdreg s0  }
0x8: {  	s4 =	srdreg.scid;
	[dreg:$0x8] =	wrdreg s12  }
0x9: {  	s0 =	rddreg [dreg:$0x6];
	s16 =	sand.u32 $0x1, s4;
	s4 =	simm.s32 $0x0  }
0xa: {  	s1 =	stileid.u32;
	[smem:$0x7FF] =	sst s4  }
0xb: {  	s7 =	sshll.u32 s1, $0x4;
	s8 =	sshll.u32 s16, $0x3;
	_ =	strace $0x80000047  }
0xc: {  	s7 =	sor.u32 s8, s7;
	s15 =	rddreg [dreg:$0x7]  }
0xd: {  	s8 =	sshll.u32 s7, $0x9;
	s7 =	sshll.u32 s7, $0x6;
	s18 =	rddreg [dreg:$0x8]  }
0xe: {  	[dreg:$0x9] =	wrdreg s8;
	s13 =	sadd.s32 s5, s7  }
0xf: {  	[tilespmem:s4], [sflag:$0x1] =	stream.linear.gather [hbm4b:s15+s4], $0x1, $0x38;
	[tilespmem:$0x2100] =	vst v63  }
0x10: {  	s9 =	sor.u32 $0x40, s7;
	s14 =	sadd.s32 s6, s7;
	[dreg:$0xa] =	wrdreg s13  }
0x11: {  	s5 =	sadd.s32 s5, s9;
	[dreg:$0xc] =	wrdreg s14  }
0x12: {  	s17 =	sadd.s32 s6, s9;
	[dreg:$0xb] =	wrdreg s5  }
0x13: {  	s6 =	simm.s32 $0x1;
	[dreg:$0xd] =	wrdreg s17;
	s5 =	simm.s32 $0x80  }
0x14: {  	[tilespmem:s5], [sflag:$0x2] =	stream.linear.gather [hbm4b:s18+s4], $0x80, $0x38;
	[tilespmem:$0x2100] =	vst v63  }
0x15: {  	_ =	swait.ge [sflag:s6], $0x1  }
0x16: {  	[sflag:s6] =	ssyncset.done $0x0  }
0x17: {  	s7 =	simm.s32 $0x2;
	[sflag:s6] =	ssyncadd.s32 $0xFFFFFFFF  }
0x18: {  	_ =	swait.ge [sflag:s7], $0x80  }
0x19: {  	[sflag:s7] =	ssyncset.done $0x0  }
0x1a: {  	[sflag:s7] =	ssyncadd.s32 $0xFFFFFF80  }
0x1b: {  	v1 =	vld [tilespmem:$0x80]  }
0x1c: {  	v2 =	vld.msk [tilespmem:$0x0 ss:$0x0], $0xffff  }
0x1d: {  	v3 =	vld [tilespmem:$0x90]  }
0x1e: {  	v4 =	vld [tilespmem:$0xA0]  }
0x1f: {  	v5 =	vld [tilespmem:$0xB0];
	_ =	sdelay $0x1  }
0x20: {  	v0 =	vimm.s32 $0x0;
	vm0 =	vle.f32 v1, v2  }
0x21: {  	vm1 =	vle.f32 v3, v2;
	v1 =	vsel vm0, $0x1, v0  }
0x22: {  	vm14 =	vle.f32 v4, v2;
	v3 =	vsel vm1, $0x1, v0;
	(xrf0) =	vadd.scan.msk.s32 $0xffff, v1  }
0x23: {  	vm15 =	vle.f32 v5, v2;
	v1 =	vsel vm14, $0x1, v0;
	(xrf0) =	vadd.scan.msk.s32 $0xffff, v3  }
0x24: {  	v3 =	vsel vm15, $0x1, v0;
	(xrf0) =	vadd.scan.msk.s32 $0xffff, v1  }
0x25: {  	(xrf0) =	vadd.scan.msk.s32 $0xffff, v3;
	_ =	sdelay $0x2  }
0x26: {  	v1, _, _ =	vpop (xrf0)  }
0x27: {  	(v2sf) =	vpush v1, $0xF;
	v1, _, _ =	vpop (xrf0)  }
0x28: {  	(v2sf) =	vpush v1, $0xF;
	v1, _, _ =	vpop (xrf0)  }
0x29: {  	(v2sf) =	vpush v1, $0xF;
	v1, _, _ =	vpop (xrf0)  }
0x2a: {  	(v2sf) =	vpush v1, $0xF;
	_ =	sdelay $0xb  }
0x2b: {  	s19 =	spop (v2sf)  }
0x2c: {  	s20 =	spop (v2sf)  }
0x2d: {  	s8 =	sadd.s32 s20, s19;
	s21 =	spop (v2sf)  }
0x2e: {  	s8 =	sadd.s32 s21, s8;
	s22 =	spop (v2sf)  }
0x2f: {  	s8 =	sadd.s32 s22, s8  }
0x30: {  	s8 =	sadd.s32 $0xFFFFFFFF, s8  }
0x31: {  	p0 =	sgt.s32 s8, $0x0  }
0x32: {  	s8 =	simm.s32 @!p0 $0x0  }
0x33: {  	s8 =	smin.u32 s8, $0x3E  }
0x34: {  	v1 =	vmov s8  }
0x35: {  	v3 =	vadd.s32 $0x1, v1;
	_ =	sdelay $0x3  }
0x36: {  	v63 =	vld.idx.msk [tilespmem:v1+s5+$0x0], $0xffff  }
0x37: {  	v3 =	vld.idx.msk [tilespmem:v3+s5+$0x0], $0xffff;
	_ =	sdelay $0x4  }
0x38: {  	v3 =	vsub.f32 v3, v63;
	_ =	sdelay $0x1  }
0x39: {  	(erf) = vrcp.f32 v3;
	_ =	sdelay $0x7  }
0x3a: {  	v2 =	vsub.f32 v2, v63  }
0x3b: {  	v3 =	vpop (erf)  }
0x3c: {  	v1 =	vcvt.s32.f32 v1;
	v2 =	vmul.f32 v3, v2;
	_ =	sdelay $0x1  }
0x3d: {  	v1 =	vadd.f32 v1, v2;
	_ =	sdelay $0x1  }
0x3e: {  	v1 =	vmax.f32 v1, $0.0e+00  }
0x3f: {  	v1 =	vmin.f32 v1, $6.300000000e+01  }
0x40: {  	(v2sf) =	vpush v1, $0x0;
	_ =	sdelay $0xe  }
0x41: {  	s23 =	spop (v2sf)  }
0x42: {  	s24 =	scvt.f32.s32 s23;
	_ =	sdelay $0x1  }
0x43: {  	s10 =	scvt.s32.f32 s24;
	_ =	sdelay $0x1  }
0x44: {  	s8 =	ssub.f32 s23, s10;
	_ =	sdelay $0x1  }
0x45: {  	s25 =	sand.u32 $0x1, s24;
	p6 =	seq.f32 s8, $5.000000000e-01  }
0x46: {  	p2 =	seq.s32 s25, $0x1;
	p1 =	sgt.f32 s8, $5.000000000e-01  }
0x47: {  	s8 =	simm.s32 $0x1;
	p0 =	por !p6, !p2  }
0x48: {  	s10 =	simm.s32 $0x1;
	s8 =	simm.s32 @!p1 $0x0;
	p0 =	por !p0, !p0  }
0x49: {  	s8 =	sadd.s32 s24, s8;
	s10 =	simm.s32 @!p0 $0x0  }
0x4a: {  	s8 =	sadd.s32 s10, s8  }
0x4b: {  	s26 =	rddreg [dreg:$0x9];
	s8 =	sshll.u32 s8, $0x11  }
0x4c: {  	s28 =	sor.u32 s26, s8  }
0x4d: {  	s9 =	simm.s32 $0x400;
	s10 =	simm.s32 $0x100;
	s13 =	sshrl.u32 s28, $0x3  }
0x4e: {  	s8 =	simm.s32 $0x200;
	s11 =	sadd.s32 s2, s13;
	s14 =	sor.u32 $0x40, s13  }
0x4f: {  	[tilespmem:s10], [sflag:$0x1] =	stream.strided.gather [hbm4b:s11+s8], $0x800, s9, s8, $0x38;
	[tilespmem:$0x2100] =	vst v63  }
0x50: {  	s11 =	simm.s32 $0x900;
	s12 =	sadd.s32 s2, s14  }
0x51: {  	[tilespmem:s11], [sflag:$0x2] =	stream.strided.gather [hbm4b:s12+s8], $0x800, s9, s8, $0x38;
	[tilespmem:$0x2100] =	vst v63  }
0x52: {  	s13 =	sadd.s32 s3, s13;
	s12 =	simm.s32 $0x1100  }
0x53: {  	[tilespmem:s12], [sflag:$0x3] =	stream.strided.gather [hbm4b:s13+s8], $0x800, s9, s8, $0x38;
	[tilespmem:$0x2100] =	vst v63  }
0x54: {  	s14 =	sadd.s32 s3, s14;
	s13 =	simm.s32 $0x1900  }
0x55: {  	[tilespmem:s13], [sflag:$0x4] =	stream.strided.gather [hbm4b:s14+s8], $0x800, s9, s8, $0x38;
	[tilespmem:$0x2100] =	vst v63  }
0x56: {  	_ =	swait.ge [sflag:s6], $0x800  }
0x57: {  	[sflag:s6] =	ssyncset.done $0x0  }
0x58: {  	s29 =	rddreg [dreg:$0xa];
	[sflag:s6] =	ssyncadd.s32 $0xFFFFF800  }
0x59: {  	[hbm4b:s29+s8] =	stream.strided.scatter [tilespmem:s10], [sflag:$0x1], $0x800, s9, s8, $0x38;
	[tilespmem:$0x2100] =	vst v63  }
0x5a: {  	_ =	swait.ge [sflag:s7], $0x800  }
0x5b: {  	[sflag:s7] =	ssyncset.done $0x0  }
0x5c: {  	s14 =	simm.s32 $0x3;
	s15 =	rddreg [dreg:$0xb];
	[sflag:s7] =	ssyncadd.s32 $0xFFFFF800  }
0x5d: {  	[hbm4b:s15+s8] =	stream.strided.scatter [tilespmem:s11], [sflag:$0x2], $0x800, s9, s8, $0x38;
	[tilespmem:$0x2100] =	vst v63  }
0x5e: {  	_ =	swait.ge [sflag:s14], $0x800  }
0x5f: {  	[sflag:s14] =	ssyncset.done $0x0  }
0x60: {  	s15 =	simm.s32 $0x4;
	s17 =	rddreg [dreg:$0xc];
	[sflag:s14] =	ssyncadd.s32 $0xFFFFF800  }
0x61: {  	[hbm4b:s17+s8] =	stream.strided.scatter [tilespmem:s12], [sflag:$0x3], $0x800, s9, s8, $0x38;
	[tilespmem:$0x2100] =	vst v63  }
0x62: {  	_ =	swait.ge [sflag:s15], $0x800  }
0x63: {  	s16 =	ssub.s32 $0x2, s16;
	[sflag:s15] =	ssyncset.done $0x0  }
0x64: {  	s31 =	sshrl.u32 s16, $0x1;
	s30 =	rddreg [dreg:$0xd];
	[sflag:s15] =	ssyncadd.s32 $0xFFFFF800  }
0x65: {  	[hbm4b:s30+s8] =	stream.strided.scatter [tilespmem:s13], [sflag:$0x4], $0x800, s9, s8, $0x38;
	[tilespmem:$0x2100] =	vst v63  }
0x66: {  	s16 =	ssub.s32 s16, s31;
	_ =	swait.ge [sflag:s6], $0x800  }
0x67: {  	s16 =	smax.u32 s16, $0x1;
	[sflag:s6] =	ssyncset.done $0x0  }
0x68: {  	p0 =	sne.s32 s16, $0x1;
	[sflag:s6] =	ssyncadd.s32 $0xFFFFF800  }
.Ltmp0:
0x69: {  	_ =	swait.ge [sflag:s7], $0x800;
	(pc) =	sbr.rel @!p0 .LBB2_2-.Ltmp0, $4  }
0x6a: {  	[sflag:s7] =	ssyncset.done $0x0  }
0x6b: {  	[sflag:s7] =	ssyncadd.s32 $0xFFFFF800  }
0x6c: {  	_ =	swait.ge [sflag:s14], $0x800  }
0x6d: {  	s16 =	sadd.s32 $0xFFFFFFFF, s16;
	[sflag:s14] =	ssyncset.done $0x0  }
.LBB2_1:
0x6e: {  	[sflag:s14] =	ssyncadd.s32 $0xFFFFF800  }
0x6f: {  	_ =	swait.ge [sflag:s15], $0x800  }
0x70: {  	[sflag:s15] =	ssyncset.done $0x0  }
0x71: {  	s17 =	rddreg [dreg:$0x7];
	[sflag:s15] =	ssyncadd.s32 $0xFFFFF800  }
0x72: {  	[tilespmem:s4], [sflag:$0x1] =	stream.linear.gather [hbm4b:s17+s4], $0x1, $0x38;
	[tilespmem:$0x2100] =	vst v63  }
0x73: {  	s18 =	rddreg [dreg:$0x8]  }
0x74: {  	[tilespmem:s5], [sflag:$0x2] =	stream.linear.gather [hbm4b:s18+s4], $0x80, $0x38;
	[tilespmem:$0x2100] =	vst v63  }
0x75: {  	_ =	swait.ge [sflag:s6], $0x1  }
0x76: {  	[sflag:s6] =	ssyncset.done $0x0  }
0x77: {  	[sflag:s6] =	ssyncadd.s32 $0xFFFFFFFF  }
0x78: {  	_ =	swait.ge [sflag:s7], $0x80  }
0x79: {  	[sflag:s7] =	ssyncset.done $0x0  }
0x7a: {  	[sflag:s7] =	ssyncadd.s32 $0xFFFFFF80  }
0x7b: {  	v1 =	vld [tilespmem:$0xA0]  }
0x7c: {  	v2 =	vld [tilespmem:$0x80]  }
0x7d: {  	v3 =	vld.msk [tilespmem:$0x0 ss:$0x0], $0xffff  }
0x7e: {  	v4 =	vld [tilespmem:$0x90];
	_ =	sdelay $0x1  }
0x7f: {  	v5 =	vld [tilespmem:$0xB0];
	_ =	sdelay $0x1  }
0x80: {  	vm0 =	vle.f32 v2, v3  }
0x81: {  	vm1 =	vle.f32 v4, v3;
	vm2 =	vle.f32 v1, v3;
	v1 =	vsel vm0, $0x1, v0  }
0x82: {  	v2 =	vsel vm1, $0x1, v0;
	(xrf0) =	vadd.scan.msk.s32 $0xffff, v1  }
0x83: {  	vm15 =	vle.f32 v5, v3;
	v62 =	vsel vm2, $0x1, v0;
	(xrf0) =	vadd.scan.msk.s32 $0xffff, v2  }
0x84: {  	v1 =	vsel vm15, $0x1, v0;
	(xrf0) =	vadd.scan.msk.s32 $0xffff, v62  }
0x85: {  	(xrf0) =	vadd.scan.msk.s32 $0xffff, v1;
	_ =	sdelay $0x2  }
0x86: {  	v1, _, _ =	vpop (xrf0)  }
0x87: {  	(v2sf) =	vpush v1, $0xF;
	v1, _, _ =	vpop (xrf0)  }
0x88: {  	(v2sf) =	vpush v1, $0xF;
	v1, _, _ =	vpop (xrf0)  }
0x89: {  	(v2sf) =	vpush v1, $0xF;
	v1, _, _ =	vpop (xrf0)  }
0x8a: {  	(v2sf) =	vpush v1, $0xF;
	_ =	sdelay $0xb  }
0x8b: {  	s28 =	spop (v2sf)  }
0x8c: {  	s29 =	spop (v2sf)  }
0x8d: {  	s17 =	sadd.s32 s29, s28;
	s30 =	spop (v2sf)  }
0x8e: {  	s17 =	sadd.s32 s30, s17;
	s31 =	spop (v2sf)  }
0x8f: {  	s17 =	sadd.s32 s31, s17  }
0x90: {  	s17 =	sadd.s32 $0xFFFFFFFF, s17  }
0x91: {  	p1 =	sgt.s32 s17, $0x0  }
0x92: {  	s17 =	simm.s32 @!p1 $0x0  }
0x93: {  	s17 =	smin.u32 s17, $0x3E  }
0x94: {  	v1 =	vmov s17  }
0x95: {  	v2 =	vadd.s32 $0x1, v1;
	_ =	sdelay $0x3  }
0x96: {  	v63 =	vld.idx.msk [tilespmem:v1+s5+$0x0], $0xffff  }
0x97: {  	v2 =	vld.idx.msk [tilespmem:v2+s5+$0x0], $0xffff;
	_ =	sdelay $0x4  }
0x98: {  	v2 =	vsub.f32 v2, v63;
	_ =	sdelay $0x1  }
0x99: {  	(erf) = vrcp.f32 v2;
	_ =	sdelay $0x7  }
0x9a: {  	v3 =	vsub.f32 v3, v63  }
0x9b: {  	v2 =	vpop (erf)  }
0x9c: {  	v1 =	vcvt.s32.f32 v1;
	v2 =	vmul.f32 v2, v3;
	_ =	sdelay $0x1  }
0x9d: {  	v1 =	vadd.f32 v1, v2;
	_ =	sdelay $0x1  }
0x9e: {  	v1 =	vmax.f32 v1, $0.0e+00  }
0x9f: {  	v1 =	vmin.f32 v1, $6.300000000e+01  }
0xa0: {  	(v2sf) =	vpush v1, $0x0;
	_ =	sdelay $0xe  }
0xa1: {  	s18 =	spop (v2sf)  }
0xa2: {  	s21 =	scvt.f32.s32 s18;
	_ =	sdelay $0x1  }
0xa3: {  	s19 =	scvt.s32.f32 s21;
	_ =	sdelay $0x1  }
0xa4: {  	s17 =	ssub.f32 s18, s19;
	_ =	sdelay $0x1  }
0xa5: {  	s20 =	sand.u32 $0x1, s21;
	p2 =	seq.f32 s17, $5.000000000e-01  }
0xa6: {  	p3 =	seq.s32 s20, $0x1;
	p1 =	sgt.f32 s17, $5.000000000e-01  }
0xa7: {  	s17 =	simm.s32 $0x1;
	p6 =	por !p2, !p3  }
0xa8: {  	s18 =	simm.s32 $0x1;
	s17 =	simm.s32 @!p1 $0x0;
	p1 =	por !p6, !p6  }
0xa9: {  	s17 =	sadd.s32 s21, s17;
	s18 =	simm.s32 @!p1 $0x0  }
0xaa: {  	s17 =	sadd.s32 s18, s17  }
0xab: {  	s22 =	rddreg [dreg:$0x9];
	s17 =	sshll.u32 s17, $0x11  }
0xac: {  	s17 =	sor.u32 s22, s17  }
0xad: {  	s17 =	sshrl.u32 s17, $0x3  }
0xae: {  	s23 =	sadd.s32 s2, s17;
	s24 =	sor.u32 $0x40, s17  }
0xaf: {  	[tilespmem:s10], [sflag:$0x1] =	stream.strided.gather [hbm4b:s23+s8], $0x800, s9, s8, $0x38;
	[tilespmem:$0x2100] =	vst v63  }
0xb0: {  	s25 =	sadd.s32 s2, s24  }
0xb1: {  	[tilespmem:s11], [sflag:$0x2] =	stream.strided.gather [hbm4b:s25+s8], $0x800, s9, s8, $0x38;
	[tilespmem:$0x2100] =	vst v63  }
0xb2: {  	s17 =	sadd.s32 s3, s17  }
0xb3: {  	[tilespmem:s12], [sflag:$0x3] =	stream.strided.gather [hbm4b:s17+s8], $0x800, s9, s8, $0x38;
	[tilespmem:$0x2100] =	vst v63  }
0xb4: {  	s26 =	sadd.s32 s3, s24  }
0xb5: {  	[tilespmem:s13], [sflag:$0x4] =	stream.strided.gather [hbm4b:s26+s8], $0x800, s9, s8, $0x38;
	[tilespmem:$0x2100] =	vst v63  }
0xb6: {  	_ =	swait.ge [sflag:s6], $0x800  }
0xb7: {  	[sflag:s6] =	ssyncset.done $0x0  }
0xb8: {  	s28 =	rddreg [dreg:$0xa];
	[sflag:s6] =	ssyncadd.s32 $0xFFFFF800  }
0xb9: {  	[hbm4b:s28+s8] =	stream.strided.scatter [tilespmem:s10], [sflag:$0x1], $0x800, s9, s8, $0x38;
	[tilespmem:$0x2100] =	vst v63  }
0xba: {  	_ =	swait.ge [sflag:s7], $0x800  }
0xbb: {  	[sflag:s7] =	ssyncset.done $0x0  }
0xbc: {  	s29 =	rddreg [dreg:$0xb];
	[sflag:s7] =	ssyncadd.s32 $0xFFFFF800  }
0xbd: {  	[hbm4b:s29+s8] =	stream.strided.scatter [tilespmem:s11], [sflag:$0x2], $0x800, s9, s8, $0x38;
	[tilespmem:$0x2100] =	vst v63  }
0xbe: {  	_ =	swait.ge [sflag:s14], $0x800  }
0xbf: {  	[sflag:s14] =	ssyncset.done $0x0  }
0xc0: {  	s30 =	rddreg [dreg:$0xc];
	[sflag:s14] =	ssyncadd.s32 $0xFFFFF800  }
0xc1: {  	[hbm4b:s30+s8] =	stream.strided.scatter [tilespmem:s12], [sflag:$0x3], $0x800, s9, s8, $0x38;
	[tilespmem:$0x2100] =	vst v63  }
0xc2: {  	_ =	swait.ge [sflag:s15], $0x800  }
0xc3: {  	[sflag:s15] =	ssyncset.done $0x0  }
0xc4: {  	s31 =	rddreg [dreg:$0xd];
	[sflag:s15] =	ssyncadd.s32 $0xFFFFF800  }
0xc5: {  	[hbm4b:s31+s8] =	stream.strided.scatter [tilespmem:s13], [sflag:$0x4], $0x800, s9, s8, $0x38;
	[tilespmem:$0x2100] =	vst v63  }
0xc6: {  	_ =	swait.ge [sflag:s6], $0x800  }
0xc7: {  	[sflag:s6] =	ssyncset.done $0x0  }
0xc8: {  	p0 =	sne.s32 s16, $0x1;
	[sflag:s6] =	ssyncadd.s32 $0xFFFFF800  }
.Ltmp1:
0xc9: {  	_ =	swait.ge [sflag:s7], $0x800;
	(pc) =	sbr.rel @p0 .LBB2_1-.Ltmp1, $4  }
0xca: {  	[sflag:s7] =	ssyncset.done $0x0  }
0xcb: {  	[sflag:s7] =	ssyncadd.s32 $0xFFFFF800  }
0xcc: {  	_ =	swait.ge [sflag:s14], $0x800  }
0xcd: {  	s16 =	sadd.s32 $0xFFFFFFFF, s16;
	[sflag:s14] =	ssyncset.done $0x0  }
.LBB2_2:
0xce: {  	[sflag:s14] =	ssyncadd.s32 $0xFFFFF800  }
0xcf: {  	_ =	swait.ge [sflag:s15], $0x800  }
0xd0: {  	[sflag:s15] =	ssyncset.done $0x0  }
0xd1: {  	[sflag:s15] =	ssyncadd.s32 $0xFFFFF800  }
0xd2: {  	_ =	sfence.sel $0x180000  }
0xd3: {  	[bflag:$0x0] =	sbarrier.arrive $0xFFFF  }
0xd4: {  	p0 =	sne.s32 s1, $0x0;
	_ =	strace $0x90000047  }
0xd5: {  	s0 =	sadd.s32 @!p0 $0x100000, s0;
	[bflag:$0x2] =	sbarrier.arrive $0xFFFF  }
0xd6: {  	[sflag:s0] =	ssyncadd.tile.s32 @!p0 $0x1;
	_ =	shalt  }
.Lfunc_end2:
_tile_overlayer_lowered:
.L_overlay_start_2:
0xd7: {  	(tag) =	ssettag $0x2  }
0xd8: {  	s0 =	rddreg [dreg:$0x0];
	s2 =	stileid.u32  }
0xd9: {  	s1 =	rddreg [dreg:$0x1];
	p0 =	sne.s32 s2, $0x0  }
0xda: {  	s3 =	rddreg [dreg:$0x2];
	[bflag:$0x3] =	sbarrier.arrive $0xFFFF;
	s2 =	simm.s32 @!p0 $0x1C05  }
0xdb: {  	[timem:s3], [sflag:s2] =	dma.local @!p0 [hbm:s0], s1  }
0xdc: {  	s0 =	simm.s32 @!p0 $0x5  }
0xdd: {  	_ =	swait.ge @!p0 [sflag:s0], s1  }
0xde: {  	s1 =	ssub.s32 @!p0 $0x0, s1;
	[sflag:s0] =	ssyncset.done @!p0 $0x0  }
0xdf: {  	[sflag:s0] =	ssyncadd.s32 @!p0 s1  }
0xe0: {  	[bflag:$0x3] =	sbarrier.arrive $0xFFFF  }
0xe1: {  	_ =	shalt  }

</sc_bundles>
